<compile_context>
chip_gen: v7x
topology: tpu7x:2x2x1
jax: 0.10.2.dev20260603
libtpu: 0.0.44.dev20260713+nightly
codegen_flags: <defaults>
</compile_context>

<pallas_src>
import functools

import jax
import jax.numpy as jnp
from jax import lax
from jax.experimental import pallas as pl
from jax.experimental.pallas import tpu as pltpu
from jax.experimental.pallas import tpu_sc as plsc

B, T, D = 1, 2048, 1024
INTER = 512
E = 8
ROUTE_SCALE = 2.5

BT = 1024
BLK = 128
NB = 39
NPAD = NB * BLK
NTILES = 32
NTOK = T // NTILES
DP = D // 2


def _ffn(xbh, g_ref, u_ref, d_ref):
    dn = (((1,), (1,)), ((), ()))
    g = lax.dot_general(xbh, g_ref[0], dn, preferred_element_type=jnp.float32)
    u = lax.dot_general(xbh, u_ref[0], dn, preferred_element_type=jnp.float32)
    h = (g * (1.0 / (1.0 + jnp.exp(-g)))) * u
    return lax.dot_general(h.astype(jnp.bfloat16), d_ref[0], dn,
                           preferred_element_type=jnp.float32)



def _k1_body(x_ref, gate_ref,
             aux_ref, i1_ref, i2_ref, w1_ref, w2_ref,
             r1_ref, r2_ref, cnt_ref, sums_ref, carry_ref):
    t = pl.program_id(0)
    xb = x_ref[:]

    logits = lax.dot_general(
        xb, gate_ref[:], (((1,), (1,)), ((), ())),
        preferred_element_type=jnp.float32) * ROUTE_SCALE
    mx = jnp.max(logits, axis=1, keepdims=True)
    ex = jnp.exp(logits - mx)
    scores = ex / jnp.sum(ex, axis=1, keepdims=True)
    iota8 = lax.broadcasted_iota(jnp.int32, (BT, E), 1)
    m1 = jnp.max(scores, axis=1, keepdims=True)
    i1 = jnp.min(jnp.where(scores == m1, iota8, E), axis=1, keepdims=True)
    masked = jnp.where(iota8 == i1, -jnp.inf, scores)
    m2 = jnp.max(masked, axis=1, keepdims=True)
    i2 = jnp.min(jnp.where(masked == m2, iota8, E), axis=1, keepdims=True)
    s = m1 + m2
    i1_ref[:] = i1
    i2_ref[:] = i2
    w1_ref[:] = m1 / s
    w2_ref[:] = m2 / s

    onehot = ((iota8 == i1) | (iota8 == i2)).astype(jnp.bfloat16)

    @pl.when(t == 0)
    def _():
        sums_ref[:] = jnp.zeros_like(sums_ref)
        carry_ref[:] = jnp.zeros_like(carry_ref)

    rows = lax.broadcasted_iota(jnp.int32, (BT, BT), 0)
    cols = lax.broadcasted_iota(jnp.int32, (BT, BT), 1)
    tri = (cols < rows).astype(jnp.bfloat16)
    excl = lax.dot_general(tri, onehot, (((1,), (0,)), ((), ())),
                           preferred_element_type=jnp.float32)
    excl = excl + carry_ref[0:1, :]
    r1_ref[:] = jnp.sum(jnp.where(iota8 == i1, excl, 0.0), axis=1,
                        keepdims=True)
    r2_ref[:] = jnp.sum(jnp.where(iota8 == i2, excl, 0.0), axis=1,
                        keepdims=True)

    ohf = onehot.astype(jnp.float32)
    carry_ref[:] += jnp.sum(ohf, axis=0, keepdims=True)
    cnt_ref[:] = carry_ref[:]
    sums_ref[0:1, :] += jnp.sum(ohf, axis=0, keepdims=True)
    sums_ref[1:2, :] += jnp.sum(scores, axis=0, keepdims=True)
    aux_ref[:] = (E / (T * T)) * jnp.sum(
        sums_ref[0:1, :] * sums_ref[1:2, :], axis=1, keepdims=True)


def _run_k1(flat, gate_w):
    return pl.pallas_call(
        _k1_body,
        grid=(T // BT,),
        in_specs=[
            pl.BlockSpec((BT, D), lambda t: (t, 0)),
            pl.BlockSpec((E, D), lambda t: (0, 0)),
        ],
        out_specs=[
            pl.BlockSpec((1, 1), lambda t: (0, 0)),
            pl.BlockSpec((BT, 1), lambda t: (t, 0)),
            pl.BlockSpec((BT, 1), lambda t: (t, 0)),
            pl.BlockSpec((BT, 1), lambda t: (t, 0)),
            pl.BlockSpec((BT, 1), lambda t: (t, 0)),
            pl.BlockSpec((BT, 1), lambda t: (t, 0)),
            pl.BlockSpec((BT, 1), lambda t: (t, 0)),
            pl.BlockSpec((1, E), lambda t: (0, 0)),
        ],
        out_shape=[
            jax.ShapeDtypeStruct((1, 1), jnp.float32),
            jax.ShapeDtypeStruct((T, 1), jnp.int32),
            jax.ShapeDtypeStruct((T, 1), jnp.int32),
            jax.ShapeDtypeStruct((T, 1), jnp.float32),
            jax.ShapeDtypeStruct((T, 1), jnp.float32),
            jax.ShapeDtypeStruct((T, 1), jnp.float32),
            jax.ShapeDtypeStruct((T, 1), jnp.float32),
            jax.ShapeDtypeStruct((1, E), jnp.float32),
        ],
        scratch_shapes=[
            pltpu.VMEM((2, E), jnp.float32),
            pltpu.VMEM((1, E), jnp.float32),
        ],
        compiler_params=pltpu.CompilerParams(
            dimension_semantics=("arbitrary",)),
    )(flat, gate_w)



def _kS_body(x_ref, sg_ref, su_ref, sd_ref, shared_ref):
    shared_ref[:] = _ffn(x_ref[:].astype(jnp.bfloat16), sg_ref, su_ref,
                         sd_ref)


def _run_kS(flat, sg, su, sd):
    return pl.pallas_call(
        _kS_body,
        grid=(T // BT,),
        in_specs=[
            pl.BlockSpec((BT, D), lambda t: (t, 0)),
            pl.BlockSpec((1, INTER, D), lambda t: (0, 0, 0)),
            pl.BlockSpec((1, INTER, D), lambda t: (0, 0, 0)),
            pl.BlockSpec((1, D, INTER), lambda t: (0, 0, 0)),
        ],
        out_specs=pl.BlockSpec((BT, D), lambda t: (t, 0)),
        out_shape=jax.ShapeDtypeStruct((T, D), jnp.float32),
        compiler_params=pltpu.CompilerParams(
            dimension_semantics=("arbitrary",)),
    )(flat, sg, su, sd)



def _k2_body(x_hbm, i1h, i2h, r1h, r2h, w1h, w2h, cnth,
             xs_out, ws_out, s1_out, s2_out, be_out,
             i1v, i2v, r1v, r2v, w1v, w2v, cntv, bsr, bsb, nbr,
             s1v, s2v, besv, xv, sem0, sem1, sem2, sem3):
    cid = lax.axis_index("c")
    sid = lax.axis_index("s")
    wid = sid * 2 + cid
    base = wid * NTOK

    pltpu.sync_copy(i1h.at[pl.ds(base, NTOK)], i1v)
    pltpu.sync_copy(i2h.at[pl.ds(base, NTOK)], i2v)
    pltpu.sync_copy(r1h.at[pl.ds(base, NTOK)], r1v)
    pltpu.sync_copy(r2h.at[pl.ds(base, NTOK)], r2v)
    pltpu.sync_copy(w1h.at[pl.ds(base, NTOK)], w1v)
    pltpu.sync_copy(w2h.at[pl.ds(base, NTOK)], w2v)
    pltpu.sync_copy(cnth, cntv)

    cnt = cntv[...]
    lane = lax.iota(jnp.int32, 16)
    nbr[...] = (cnt + (BLK - 1)) >> 7
    startb = jnp.zeros((16,), jnp.int32)
    for j in range(E):
        nbj = plsc.load_gather(nbr, [jnp.full((16,), j, jnp.int32)])
        startb = startb + jnp.where(lane > j, nbj, 0)
    bsr[...] = startb * BLK
    bsb[...] = startb

    for j in range(NTOK // 16):
        sl = pl.ds(j * 16, 16)
        s1v[sl] = plsc.load_gather(bsr, [i1v[sl]]) + r1v[sl]
        s2v[sl] = plsc.load_gather(bsr, [i2v[sl]]) + r2v[sl]

    pltpu.sync_copy(s1v, s1_out.at[pl.ds(base, NTOK)])
    pltpu.sync_copy(s2v, s2_out.at[pl.ds(base, NTOK)])

    @pl.when(wid == 0)
    def _():
        for v in range(3):
            bidx = lane + v * 16
            acc = jnp.full((16,), -1, jnp.int32)
            for e in range(E):
                se = plsc.load_gather(bsb, [jnp.full((16,), e, jnp.int32)])
                acc = acc + jnp.where(bidx >= se, 1, 0)
            besv[pl.ds(v * 16, 16)] = jnp.minimum(acc, E - 1)
        pltpu.sync_copy(besv, be_out)

    pltpu.sync_copy(x_hbm.at[pl.ds(base, NTOK)], xv)
    c0 = pltpu.async_copy(xv, xs_out.at[s1v], sem0)
    c1 = pltpu.async_copy(xv, xs_out.at[s2v], sem1)
    c2 = pltpu.async_copy(w1v, ws_out.at[s1v], sem2)
    c3 = pltpu.async_copy(w2v, ws_out.at[s2v], sem3)
    c0.wait()
    c1.wait()
    c2.wait()
    c3.wait()


def _run_k2(flat, i1f, i2f, r1f, r2f, w1f, w2f, cnt16):
    mesh = plsc.VectorSubcoreMesh(core_axis_name="c", subcore_axis_name="s")
    k = functools.partial(
        pl.kernel, mesh=mesh,
        out_type=[
            jax.ShapeDtypeStruct((NPAD, D), jnp.float32),
            jax.ShapeDtypeStruct((NPAD,), jnp.float32),
            jax.ShapeDtypeStruct((T,), jnp.int32),
            jax.ShapeDtypeStruct((T,), jnp.int32),
            jax.ShapeDtypeStruct((48,), jnp.int32),
        ],
        scratch_types=[
            pltpu.VMEM((NTOK,), jnp.int32),
            pltpu.VMEM((NTOK,), jnp.int32),
            pltpu.VMEM((NTOK,), jnp.int32),
            pltpu.VMEM((NTOK,), jnp.int32),
            pltpu.VMEM((NTOK,), jnp.float32),
            pltpu.VMEM((NTOK,), jnp.float32),
            pltpu.VMEM((16,), jnp.int32),
            pltpu.VMEM((16,), jnp.int32),
            pltpu.VMEM((16,), jnp.int32),
            pltpu.VMEM((16,), jnp.int32),
            pltpu.VMEM((NTOK,), jnp.int32),
            pltpu.VMEM((NTOK,), jnp.int32),
            pltpu.VMEM((48,), jnp.int32),
            pltpu.VMEM((NTOK, D), jnp.float32),
            pltpu.SemaphoreType.DMA,
            pltpu.SemaphoreType.DMA,
            pltpu.SemaphoreType.DMA,
            pltpu.SemaphoreType.DMA,
        ],
        compiler_params=pltpu.CompilerParams(needs_layout_passes=False),
    )(_k2_body)
    return k(flat, i1f, i2f, r1f, r2f, w1f, w2f, cnt16)



def _k3_body(be_ref, xs_ref, w_ref, rg_ref, ru_ref, rd_ref, ys_ref):
    y = _ffn(xs_ref[:].astype(jnp.bfloat16), rg_ref, ru_ref, rd_ref)
    ys_ref[:] = w_ref[:] * y


def _run_k3(xs, wslot, be, rg, ru, rd):
    grid_spec = pltpu.PrefetchScalarGridSpec(
        num_scalar_prefetch=1,
        grid=(NB,),
        in_specs=[
            pl.BlockSpec((BLK, D), lambda i, be: (i, 0)),
            pl.BlockSpec((BLK, 1), lambda i, be: (i, 0)),
            pl.BlockSpec((1, INTER, D), lambda i, be: (be[i], 0, 0)),
            pl.BlockSpec((1, INTER, D), lambda i, be: (be[i], 0, 0)),
            pl.BlockSpec((1, D, INTER), lambda i, be: (be[i], 0, 0)),
        ],
        out_specs=pl.BlockSpec((BLK, D), lambda i, be: (i, 0)),
    )
    return pl.pallas_call(
        _k3_body,
        grid_spec=grid_spec,
        out_shape=jax.ShapeDtypeStruct((NPAD, D), jnp.float32),
        compiler_params=pltpu.CompilerParams(
            dimension_semantics=("arbitrary",)),
    )(be, xs, wslot, rg, ru, rd)



def _k4_body(shared_hbm, ys_hbm, s1_hbm, s2_hbm, out_hbm,
             iv1, iv2, acc, sem):
    cid = lax.axis_index("c")
    sid = lax.axis_index("s")
    wid = sid * 2 + cid
    base = wid * (T // NTILES)
    n = T // NTILES

    pltpu.sync_copy(s1_hbm.at[pl.ds(base, n)], iv1)
    pltpu.sync_copy(s2_hbm.at[pl.ds(base, n)], iv2)
    pltpu.sync_copy(shared_hbm.at[pl.ds(base, n)], acc)
    pltpu.async_copy(ys_hbm.at[iv1], acc, sem, add=True).wait()
    pltpu.async_copy(ys_hbm.at[iv2], acc, sem, add=True).wait()
    pltpu.sync_copy(acc, out_hbm.at[pl.ds(base, n)])


def _run_k4(shared, ys, s1, s2):
    mesh = plsc.VectorSubcoreMesh(core_axis_name="c", subcore_axis_name="s")
    k = functools.partial(
        pl.kernel, mesh=mesh,
        out_type=jax.ShapeDtypeStruct((T, D), jnp.float32),
        scratch_types=[
            pltpu.VMEM((T // NTILES,), jnp.int32),
            pltpu.VMEM((T // NTILES,), jnp.int32),
            pltpu.VMEM((T // NTILES, D), jnp.float32),
            pltpu.SemaphoreType.DMA,
        ],
        compiler_params=pltpu.CompilerParams(needs_layout_passes=False),
    )(_k4_body)
    return k(shared, ys, s1, s2)



@jax.jit
def kernel(x, gate_w, shared_gate, shared_up, shared_down,
           routed_gate, routed_up, routed_down):
    flat = x.reshape(T, D)
    bf = jnp.bfloat16

    (aux, i1, i2, w1, w2, r1, r2, cnt) = _run_k1(flat, gate_w)

    i1f = i1.reshape(T)
    i2f = i2.reshape(T)
    r1f = r1.reshape(T).astype(jnp.int32)
    r2f = r2.reshape(T).astype(jnp.int32)
    w1f = w1.reshape(T)
    w2f = w2.reshape(T)
    cnt16 = jnp.zeros((16,), jnp.int32).at[:E].set(
        cnt.reshape(E).astype(jnp.int32))

    xs, wslot, s1, s2, be = _run_k2(
        flat, i1f, i2f, r1f, r2f, w1f, w2f, cnt16)

    shared = _run_kS(flat, shared_gate.astype(bf), shared_up.astype(bf),
                     shared_down.astype(bf))

    ys = _run_k3(xs, wslot.reshape(NPAD, 1), be,
                 routed_gate.astype(bf), routed_up.astype(bf),
                 routed_down.astype(bf))

    out = _run_k4(shared, ys, s1, s2)
    return out.reshape(B, T, D), aux[0, 0]

# --- scband reference (transcript-rebuilt; emitter-appended) ---
"""Pipeline reference for scband-mo-effn-85332410237529 (READ-ONLY COPY).

The authoritative reference and input builder live on the scoring server;
editing this copy changes nothing except your own understanding.
"""

import jax, jax.numpy as jnp
import numpy as np

B, T, D = 1, 2048, 1024
INTER = 512
E = 8
K = 2
NS = 1
ROUTE_SCALE = 2.5


def setup_inputs(seed: int = 0) -> dict:
    key = jax.random.key(seed)
    ks = jax.random.split(key, 8)
    s = 0.02
    return {
        "x": jax.random.normal(ks[0], (B, T, D), dtype=jnp.float32),
        "gate_w": jax.random.normal(ks[1], (E, D), dtype=jnp.float32) * s,
        "shared_gate": jax.random.normal(ks[2], (NS, INTER, D), dtype=jnp.float32) * s,
        "shared_up": jax.random.normal(ks[3], (NS, INTER, D), dtype=jnp.float32) * s,
        "shared_down": jax.random.normal(ks[4], (NS, D, INTER), dtype=jnp.float32) * s,
        "routed_gate": jax.random.normal(ks[5], (E, INTER, D), dtype=jnp.float32) * s,
        "routed_up": jax.random.normal(ks[6], (E, INTER, D), dtype=jnp.float32) * s,
        "routed_down": jax.random.normal(ks[7], (E, D, INTER), dtype=jnp.float32) * s,
    }


def _expert(x, wg, wu, wd):
    return (jax.nn.silu(x @ wg.T) * (x @ wu.T)) @ wd.T


def reference(x, gate_w, shared_gate, shared_up, shared_down, routed_gate, routed_up, routed_down):
    flat = x.reshape(-1, D)
    shared_out = jnp.zeros_like(flat)
    for i in range(NS):
        shared_out = shared_out + _expert(flat, shared_gate[i], shared_up[i], shared_down[i])
    logits = (flat @ gate_w.T) * ROUTE_SCALE
    scores = jax.nn.softmax(logits.astype(jnp.float32), axis=-1)
    topw, topi = jax.lax.top_k(scores, K)
    topw = topw / jnp.sum(topw, axis=-1, keepdims=True)
    mask = jnp.sum(jax.nn.one_hot(topi, E, dtype=jnp.float32), axis=1)
    f = jnp.mean(mask, axis=0)
    p = jnp.mean(scores, axis=0)
    aux_loss = jnp.sum(f * p) * E
    topw = topw.astype(x.dtype)
    # combined per-token, per-expert routing weight (topk indices are distinct per token)
    comb = jnp.sum(jax.nn.one_hot(topi, E, dtype=x.dtype) * topw[..., None], axis=1)
    routed_out = jnp.zeros_like(flat)
    for e in range(E):
        routed_out = routed_out + comb[:, e:e + 1] * _expert(flat, routed_gate[e], routed_up[e], routed_down[e])
    out = (shared_out + routed_out).reshape(B, T, D)
    return out, aux_loss

if __name__ == "__main__":
    import jax
    _d = setup_inputs()
    print(jax.jit(kernel)(*tuple(_d.values())))

</pallas_src>

<mosaic_0001>
#map = affine_map<(d0, d1) -> (0, 0)>
#map1 = affine_map<(d0, d1) -> (0)>
module attributes {stable_mosaic.version = 14 : i64} {
  func.func @_k2_body(%arg0: i32, %arg1: i32, %arg2: memref<2048x1024xf32, #tpu.memory_space<hbm>>, %arg3: memref<2048xi32, #tpu.memory_space<hbm>>, %arg4: memref<2048xi32, #tpu.memory_space<hbm>>, %arg5: memref<2048xi32, #tpu.memory_space<hbm>>, %arg6: memref<2048xi32, #tpu.memory_space<hbm>>, %arg7: memref<2048xf32, #tpu.memory_space<hbm>>, %arg8: memref<2048xf32, #tpu.memory_space<hbm>>, %arg9: memref<16xi32, #tpu.memory_space<hbm>>, %arg10: memref<4992x1024xf32, #tpu.memory_space<hbm>>, %arg11: memref<4992xf32, #tpu.memory_space<hbm>>, %arg12: memref<2048xi32, #tpu.memory_space<hbm>>, %arg13: memref<2048xi32, #tpu.memory_space<hbm>>, %arg14: memref<48xi32, #tpu.memory_space<hbm>>, %arg15: memref<64xi32, #tpu.memory_space<vmem>>, %arg16: memref<64xi32, #tpu.memory_space<vmem>>, %arg17: memref<64xi32, #tpu.memory_space<vmem>>, %arg18: memref<64xi32, #tpu.memory_space<vmem>>, %arg19: memref<64xf32, #tpu.memory_space<vmem>>, %arg20: memref<64xf32, #tpu.memory_space<vmem>>, %arg21: memref<16xi32, #tpu.memory_space<vmem>>, %arg22: memref<16xi32, #tpu.memory_space<vmem>>, %arg23: memref<16xi32, #tpu.memory_space<vmem>>, %arg24: memref<16xi32, #tpu.memory_space<vmem>>, %arg25: memref<64xi32, #tpu.memory_space<vmem>>, %arg26: memref<64xi32, #tpu.memory_space<vmem>>, %arg27: memref<48xi32, #tpu.memory_space<vmem>>, %arg28: memref<64x1024xf32, #tpu.memory_space<vmem>>, %arg29: memref<!tpu.dma_semaphore, #tpu.memory_space<semaphore_mem>>, %arg30: memref<!tpu.dma_semaphore, #tpu.memory_space<semaphore_mem>>, %arg31: memref<!tpu.dma_semaphore, #tpu.memory_space<semaphore_mem>>, %arg32: memref<!tpu.dma_semaphore, #tpu.memory_space<semaphore_mem>>) attributes {dimension_semantics = [#tpu.dimension_semantics<core_parallel>, #tpu.dimension_semantics<subcore_parallel>], iteration_bounds = array<i64: 2, 16>, scalar_prefetch = 0 : i64, scratch_operands = 18 : i64, tpu.core_type = #tpu.core_type<sc_vector_subcore>, window_params = [{transform_indices = #map}, {transform_indices = #map1}, {transform_indices = #map1}, {transform_indices = #map1}, {transform_indices = #map1}, {transform_indices = #map1}, {transform_indices = #map1}, {transform_indices = #map1}, {transform_indices = #map}, {transform_indices = #map1}, {transform_indices = #map1}, {transform_indices = #map1}, {transform_indices = #map1}]} {
    %mul3A = arith.constant 2 : i32
    %mul3A_0 = arith.muli %arg1, %mul3A : i32
    %add3A = arith.addi %mul3A_0, %arg0 : i32
    %mul3A_1 = arith.constant 64 : i32
    %mul3A_2 = arith.muli %add3A, %mul3A_1 : i32
    "tpu.region"() ({
      %run_scoped3A = tpu.sem_alloc : memref<!tpu.dma_semaphore, #tpu.memory_space<semaphore_mem>>
      %dma_start3A_178 = tpu.memref_slice %arg3[%mul3A_2] : memref<2048xi32, #tpu.memory_space<hbm>> -> memref<64xi32, #tpu.memory_space<hbm>>
      %dma_start3A_179 = tpu.memref_slice %arg3[%mul3A_2] : memref<2048xi32, #tpu.memory_space<hbm>> -> memref<64xi32, #tpu.memory_space<hbm>>
      tpu.enqueue_dma source(%dma_start3A_179 : memref<64xi32, #tpu.memory_space<hbm>>) target(%arg15 : memref<64xi32, #tpu.memory_space<vmem>>) target_semaphore(%run_scoped3A : memref<!tpu.dma_semaphore, #tpu.memory_space<semaphore_mem>>)
      %dma_wait3A_180 = tpu.memref_slice %arg3[%mul3A_2] : memref<2048xi32, #tpu.memory_space<hbm>> -> memref<64xi32, #tpu.memory_space<hbm>>
      %dma_wait3A_181 = tpu.memref_slice %arg3[%mul3A_2] : memref<2048xi32, #tpu.memory_space<hbm>> -> memref<64xi32, #tpu.memory_space<hbm>>
      tpu.wait_dma2 semaphore(%run_scoped3A : memref<!tpu.dma_semaphore, #tpu.memory_space<semaphore_mem>>) src(%dma_wait3A_181 : memref<64xi32, #tpu.memory_space<hbm>>) dst(%arg15 : memref<64xi32, #tpu.memory_space<vmem>>)
      tpu.yield
    }) : () -> ()
    "tpu.region"() ({
      %run_scoped3A = tpu.sem_alloc : memref<!tpu.dma_semaphore, #tpu.memory_space<semaphore_mem>>
      %dma_start3A_178 = tpu.memref_slice %arg4[%mul3A_2] : memref<2048xi32, #tpu.memory_space<hbm>> -> memref<64xi32, #tpu.memory_space<hbm>>
      %dma_start3A_179 = tpu.memref_slice %arg4[%mul3A_2] : memref<2048xi32, #tpu.memory_space<hbm>> -> memref<64xi32, #tpu.memory_space<hbm>>
      tpu.enqueue_dma source(%dma_start3A_179 : memref<64xi32, #tpu.memory_space<hbm>>) target(%arg16 : memref<64xi32, #tpu.memory_space<vmem>>) target_semaphore(%run_scoped3A : memref<!tpu.dma_semaphore, #tpu.memory_space<semaphore_mem>>)
      %dma_wait3A_180 = tpu.memref_slice %arg4[%mul3A_2] : memref<2048xi32, #tpu.memory_space<hbm>> -> memref<64xi32, #tpu.memory_space<hbm>>
      %dma_wait3A_181 = tpu.memref_slice %arg4[%mul3A_2] : memref<2048xi32, #tpu.memory_space<hbm>> -> memref<64xi32, #tpu.memory_space<hbm>>
      tpu.wait_dma2 semaphore(%run_scoped3A : memref<!tpu.dma_semaphore, #tpu.memory_space<semaphore_mem>>) src(%dma_wait3A_181 : memref<64xi32, #tpu.memory_space<hbm>>) dst(%arg16 : memref<64xi32, #tpu.memory_space<vmem>>)
      tpu.yield
    }) : () -> ()
    "tpu.region"() ({
      %run_scoped3A = tpu.sem_alloc : memref<!tpu.dma_semaphore, #tpu.memory_space<semaphore_mem>>
      %dma_start3A_178 = tpu.memref_slice %arg5[%mul3A_2] : memref<2048xi32, #tpu.memory_space<hbm>> -> memref<64xi32, #tpu.memory_space<hbm>>
      %dma_start3A_179 = tpu.memref_slice %arg5[%mul3A_2] : memref<2048xi32, #tpu.memory_space<hbm>> -> memref<64xi32, #tpu.memory_space<hbm>>
      tpu.enqueue_dma source(%dma_start3A_179 : memref<64xi32, #tpu.memory_space<hbm>>) target(%arg17 : memref<64xi32, #tpu.memory_space<vmem>>) target_semaphore(%run_scoped3A : memref<!tpu.dma_semaphore, #tpu.memory_space<semaphore_mem>>)
      %dma_wait3A_180 = tpu.memref_slice %arg5[%mul3A_2] : memref<2048xi32, #tpu.memory_space<hbm>> -> memref<64xi32, #tpu.memory_space<hbm>>
      %dma_wait3A_181 = tpu.memref_slice %arg5[%mul3A_2] : memref<2048xi32, #tpu.memory_space<hbm>> -> memref<64xi32, #tpu.memory_space<hbm>>
      tpu.wait_dma2 semaphore(%run_scoped3A : memref<!tpu.dma_semaphore, #tpu.memory_space<semaphore_mem>>) src(%dma_wait3A_181 : memref<64xi32, #tpu.memory_space<hbm>>) dst(%arg17 : memref<64xi32, #tpu.memory_space<vmem>>)
      tpu.yield
    }) : () -> ()
    "tpu.region"() ({
      %run_scoped3A = tpu.sem_alloc : memref<!tpu.dma_semaphore, #tpu.memory_space<semaphore_mem>>
      %dma_start3A_178 = tpu.memref_slice %arg6[%mul3A_2] : memref<2048xi32, #tpu.memory_space<hbm>> -> memref<64xi32, #tpu.memory_space<hbm>>
      %dma_start3A_179 = tpu.memref_slice %arg6[%mul3A_2] : memref<2048xi32, #tpu.memory_space<hbm>> -> memref<64xi32, #tpu.memory_space<hbm>>
      tpu.enqueue_dma source(%dma_start3A_179 : memref<64xi32, #tpu.memory_space<hbm>>) target(%arg18 : memref<64xi32, #tpu.memory_space<vmem>>) target_semaphore(%run_scoped3A : memref<!tpu.dma_semaphore, #tpu.memory_space<semaphore_mem>>)
      %dma_wait3A_180 = tpu.memref_slice %arg6[%mul3A_2] : memref<2048xi32, #tpu.memory_space<hbm>> -> memref<64xi32, #tpu.memory_space<hbm>>
      %dma_wait3A_181 = tpu.memref_slice %arg6[%mul3A_2] : memref<2048xi32, #tpu.memory_space<hbm>> -> memref<64xi32, #tpu.memory_space<hbm>>
      tpu.wait_dma2 semaphore(%run_scoped3A : memref<!tpu.dma_semaphore, #tpu.memory_space<semaphore_mem>>) src(%dma_wait3A_181 : memref<64xi32, #tpu.memory_space<hbm>>) dst(%arg18 : memref<64xi32, #tpu.memory_space<vmem>>)
      tpu.yield
    }) : () -> ()
    "tpu.region"() ({
      %run_scoped3A = tpu.sem_alloc : memref<!tpu.dma_semaphore, #tpu.memory_space<semaphore_mem>>
      %dma_start3A_178 = tpu.memref_slice %arg7[%mul3A_2] : memref<2048xf32, #tpu.memory_space<hbm>> -> memref<64xf32, #tpu.memory_space<hbm>>
      %dma_start3A_179 = tpu.memref_slice %arg7[%mul3A_2] : memref<2048xf32, #tpu.memory_space<hbm>> -> memref<64xf32, #tpu.memory_space<hbm>>
      tpu.enqueue_dma source(%dma_start3A_179 : memref<64xf32, #tpu.memory_space<hbm>>) target(%arg19 : memref<64xf32, #tpu.memory_space<vmem>>) target_semaphore(%run_scoped3A : memref<!tpu.dma_semaphore, #tpu.memory_space<semaphore_mem>>)
      %dma_wait3A_180 = tpu.memref_slice %arg7[%mul3A_2] : memref<2048xf32, #tpu.memory_space<hbm>> -> memref<64xf32, #tpu.memory_space<hbm>>
      %dma_wait3A_181 = tpu.memref_slice %arg7[%mul3A_2] : memref<2048xf32, #tpu.memory_space<hbm>> -> memref<64xf32, #tpu.memory_space<hbm>>
      tpu.wait_dma2 semaphore(%run_scoped3A : memref<!tpu.dma_semaphore, #tpu.memory_space<semaphore_mem>>) src(%dma_wait3A_181 : memref<64xf32, #tpu.memory_space<hbm>>) dst(%arg19 : memref<64xf32, #tpu.memory_space<vmem>>)
      tpu.yield
    }) : () -> ()
    "tpu.region"() ({
      %run_scoped3A = tpu.sem_alloc : memref<!tpu.dma_semaphore, #tpu.memory_space<semaphore_mem>>
      %dma_start3A_178 = tpu.memref_slice %arg8[%mul3A_2] : memref<2048xf32, #tpu.memory_space<hbm>> -> memref<64xf32, #tpu.memory_space<hbm>>
      %dma_start3A_179 = tpu.memref_slice %arg8[%mul3A_2] : memref<2048xf32, #tpu.memory_space<hbm>> -> memref<64xf32, #tpu.memory_space<hbm>>
      tpu.enqueue_dma source(%dma_start3A_179 : memref<64xf32, #tpu.memory_space<hbm>>) target(%arg20 : memref<64xf32, #tpu.memory_space<vmem>>) target_semaphore(%run_scoped3A : memref<!tpu.dma_semaphore, #tpu.memory_space<semaphore_mem>>)
      %dma_wait3A_180 = tpu.memref_slice %arg8[%mul3A_2] : memref<2048xf32, #tpu.memory_space<hbm>> -> memref<64xf32, #tpu.memory_space<hbm>>
      %dma_wait3A_181 = tpu.memref_slice %arg8[%mul3A_2] : memref<2048xf32, #tpu.memory_space<hbm>> -> memref<64xf32, #tpu.memory_space<hbm>>
      tpu.wait_dma2 semaphore(%run_scoped3A : memref<!tpu.dma_semaphore, #tpu.memory_space<semaphore_mem>>) src(%dma_wait3A_181 : memref<64xf32, #tpu.memory_space<hbm>>) dst(%arg20 : memref<64xf32, #tpu.memory_space<vmem>>)
      tpu.yield
    }) : () -> ()
    "tpu.region"() ({
      %run_scoped3A = tpu.sem_alloc : memref<!tpu.dma_semaphore, #tpu.memory_space<semaphore_mem>>
      tpu.enqueue_dma source(%arg9 : memref<16xi32, #tpu.memory_space<hbm>>) target(%arg21 : memref<16xi32, #tpu.memory_space<vmem>>) target_semaphore(%run_scoped3A : memref<!tpu.dma_semaphore, #tpu.memory_space<semaphore_mem>>)
      tpu.wait_dma2 semaphore(%run_scoped3A : memref<!tpu.dma_semaphore, #tpu.memory_space<semaphore_mem>>) src(%arg9 : memref<16xi32, #tpu.memory_space<hbm>>) dst(%arg21 : memref<16xi32, #tpu.memory_space<vmem>>)
      tpu.yield
    }) : () -> ()
    %get3A = arith.constant 0 : index
    %get3A_3 = tpu.vector_load %arg21[%get3A] {strides = array<i32>} : memref<16xi32, #tpu.memory_space<vmem>>, vector<16xi32>,
    %iota3A = tpu.iota {dimensions = array<i32: 0>} : vector<16xi32>
    %add3A_4 = arith.constant 127 : i32
    %add3A_5 = vector.broadcast %add3A_4 : i32 to vector<16xi32>
    %add3A_6 = arith.addi %get3A_3, %add3A_5 : vector<16xi32>
    %shift_right_arithmetic3A = arith.constant 7 : i32
    %shift_right_arithmetic3A_7 = vector.broadcast %shift_right_arithmetic3A : i32 to vector<16xi32>
    %shift_right_arithmetic3A_8 = arith.shrsi %add3A_6, %shift_right_arithmetic3A_7 : vector<16xi32>
    %swap3A = arith.constant 0 : index
    %swap3A_9 = tpu.vector_load %arg24[%swap3A] {strides = array<i32>} : memref<16xi32, #tpu.memory_space<vmem>>, vector<16xi32>,
    tpu.vector_store %arg24[%swap3A], %shift_right_arithmetic3A_8 {strides = array<i32>} : memref<16xi32, #tpu.memory_space<vmem>>, vector<16xi32>,
    %broadcast_in_dim3A = arith.constant 0 : i32
    %broadcast_in_dim3A_10 = vector.broadcast %broadcast_in_dim3A : i32 to vector<16xi32>
    %broadcast_in_dim3A_11 = arith.constant 0 : i32
    %broadcast_in_dim3A_12 = vector.broadcast %broadcast_in_dim3A_11 : i32 to vector<16xi32>
    %gather3A = tpu.vector_load_idx %arg24[%broadcast_in_dim3A_12] : memref<16xi32, #tpu.memory_space<vmem>>[vector<16xi32>], vector<16xi32>,
    %gt3A = arith.constant 0 : i32
    %gt3A_13 = vector.broadcast %gt3A : i32 to vector<16xi32>
    %gt3A_14 = arith.cmpi sgt, %iota3A, %gt3A_13 : vector<16xi32>
    %jit3A = arith.constant 0 : i32
    %broadcast_in_dim3A_15 = vector.broadcast %jit3A : i32 to vector<16xi32>
    %select_n3A = arith.select %gt3A_14, %gather3A, %broadcast_in_dim3A_15 : vector<16xi1>, vector<16xi32>
    %add3A_16 = arith.addi %broadcast_in_dim3A_10, %select_n3A : vector<16xi32>
    %broadcast_in_dim3A_17 = arith.constant 1 : i32
    %broadcast_in_dim3A_18 = vector.broadcast %broadcast_in_dim3A_17 : i32 to vector<16xi32>
    %gather3A_19 = tpu.vector_load_idx %arg24[%broadcast_in_dim3A_18] : memref<16xi32, #tpu.memory_space<vmem>>[vector<16xi32>], vector<16xi32>,
    %gt3A_20 = arith.constant 1 : i32
    %gt3A_21 = vector.broadcast %gt3A_20 : i32 to vector<16xi32>
    %gt3A_22 = arith.cmpi sgt, %iota3A, %gt3A_21 : vector<16xi32>
    %jit3A_23 = arith.constant 0 : i32
    %broadcast_in_dim3A_24 = vector.broadcast %jit3A_23 : i32 to vector<16xi32>
    %select_n3A_25 = arith.select %gt3A_22, %gather3A_19, %broadcast_in_dim3A_24 : vector<16xi1>, vector<16xi32>
    %add3A_26 = arith.addi %add3A_16, %select_n3A_25 : vector<16xi32>
    %broadcast_in_dim3A_27 = arith.constant 2 : i32
    %broadcast_in_dim3A_28 = vector.broadcast %broadcast_in_dim3A_27 : i32 to vector<16xi32>
    %gather3A_29 = tpu.vector_load_idx %arg24[%broadcast_in_dim3A_28] : memref<16xi32, #tpu.memory_space<vmem>>[vector<16xi32>], vector<16xi32>,
    %gt3A_30 = arith.constant 2 : i32
    %gt3A_31 = vector.broadcast %gt3A_30 : i32 to vector<16xi32>
    %gt3A_32 = arith.cmpi sgt, %iota3A, %gt3A_31 : vector<16xi32>
    %jit3A_33 = arith.constant 0 : i32
    %broadcast_in_dim3A_34 = vector.broadcast %jit3A_33 : i32 to vector<16xi32>
    %select_n3A_35 = arith.select %gt3A_32, %gather3A_29, %broadcast_in_dim3A_34 : vector<16xi1>, vector<16xi32>
    %add3A_36 = arith.addi %add3A_26, %select_n3A_35 : vector<16xi32>
    %broadcast_in_dim3A_37 = arith.constant 3 : i32
    %broadcast_in_dim3A_38 = vector.broadcast %broadcast_in_dim3A_37 : i32 to vector<16xi32>
    %gather3A_39 = tpu.vector_load_idx %arg24[%broadcast_in_dim3A_38] : memref<16xi32, #tpu.memory_space<vmem>>[vector<16xi32>], vector<16xi32>,
    %gt3A_40 = arith.constant 3 : i32
    %gt3A_41 = vector.broadcast %gt3A_40 : i32 to vector<16xi32>
    %gt3A_42 = arith.cmpi sgt, %iota3A, %gt3A_41 : vector<16xi32>
    %jit3A_43 = arith.constant 0 : i32
    %broadcast_in_dim3A_44 = vector.broadcast %jit3A_43 : i32 to vector<16xi32>
    %select_n3A_45 = arith.select %gt3A_42, %gather3A_39, %broadcast_in_dim3A_44 : vector<16xi1>, vector<16xi32>
    %add3A_46 = arith.addi %add3A_36, %select_n3A_45 : vector<16xi32>
    %broadcast_in_dim3A_47 = arith.constant 4 : i32
    %broadcast_in_dim3A_48 = vector.broadcast %broadcast_in_dim3A_47 : i32 to vector<16xi32>
    %gather3A_49 = tpu.vector_load_idx %arg24[%broadcast_in_dim3A_48] : memref<16xi32, #tpu.memory_space<vmem>>[vector<16xi32>], vector<16xi32>,
    %gt3A_50 = arith.constant 4 : i32
    %gt3A_51 = vector.broadcast %gt3A_50 : i32 to vector<16xi32>
    %gt3A_52 = arith.cmpi sgt, %iota3A, %gt3A_51 : vector<16xi32>
    %jit3A_53 = arith.constant 0 : i32
    %broadcast_in_dim3A_54 = vector.broadcast %jit3A_53 : i32 to vector<16xi32>
    %select_n3A_55 = arith.select %gt3A_52, %gather3A_49, %broadcast_in_dim3A_54 : vector<16xi1>, vector<16xi32>
    %add3A_56 = arith.addi %add3A_46, %select_n3A_55 : vector<16xi32>
    %broadcast_in_dim3A_57 = arith.constant 5 : i32
    %broadcast_in_dim3A_58 = vector.broadcast %broadcast_in_dim3A_57 : i32 to vector<16xi32>
    %gather3A_59 = tpu.vector_load_idx %arg24[%broadcast_in_dim3A_58] : memref<16xi32, #tpu.memory_space<vmem>>[vector<16xi32>], vector<16xi32>,
    %gt3A_60 = arith.constant 5 : i32
    %gt3A_61 = vector.broadcast %gt3A_60 : i32 to vector<16xi32>
    %gt3A_62 = arith.cmpi sgt, %iota3A, %gt3A_61 : vector<16xi32>
    %jit3A_63 = arith.constant 0 : i32
    %broadcast_in_dim3A_64 = vector.broadcast %jit3A_63 : i32 to vector<16xi32>
    %select_n3A_65 = arith.select %gt3A_62, %gather3A_59, %broadcast_in_dim3A_64 : vector<16xi1>, vector<16xi32>
    %add3A_66 = arith.addi %add3A_56, %select_n3A_65 : vector<16xi32>
    %broadcast_in_dim3A_67 = arith.constant 6 : i32
    %broadcast_in_dim3A_68 = vector.broadcast %broadcast_in_dim3A_67 : i32 to vector<16xi32>
    %gather3A_69 = tpu.vector_load_idx %arg24[%broadcast_in_dim3A_68] : memref<16xi32, #tpu.memory_space<vmem>>[vector<16xi32>], vector<16xi32>,
    %gt3A_70 = arith.constant 6 : i32
    %gt3A_71 = vector.broadcast %gt3A_70 : i32 to vector<16xi32>
    %gt3A_72 = arith.cmpi sgt, %iota3A, %gt3A_71 : vector<16xi32>
    %jit3A_73 = arith.constant 0 : i32
    %broadcast_in_dim3A_74 = vector.broadcast %jit3A_73 : i32 to vector<16xi32>
    %select_n3A_75 = arith.select %gt3A_72, %gather3A_69, %broadcast_in_dim3A_74 : vector<16xi1>, vector<16xi32>
    %add3A_76 = arith.addi %add3A_66, %select_n3A_75 : vector<16xi32>
    %broadcast_in_dim3A_77 = arith.constant 7 : i32
    %broadcast_in_dim3A_78 = vector.broadcast %broadcast_in_dim3A_77 : i32 to vector<16xi32>
    %gather3A_79 = tpu.vector_load_idx %arg24[%broadcast_in_dim3A_78] : memref<16xi32, #tpu.memory_space<vmem>>[vector<16xi32>], vector<16xi32>,
    %gt3A_80 = arith.constant 7 : i32
    %gt3A_81 = vector.broadcast %gt3A_80 : i32 to vector<16xi32>
    %gt3A_82 = arith.cmpi sgt, %iota3A, %gt3A_81 : vector<16xi32>
    %jit3A_83 = arith.constant 0 : i32
    %broadcast_in_dim3A_84 = vector.broadcast %jit3A_83 : i32 to vector<16xi32>
    %select_n3A_85 = arith.select %gt3A_82, %gather3A_79, %broadcast_in_dim3A_84 : vector<16xi1>, vector<16xi32>
    %add3A_86 = arith.addi %add3A_76, %select_n3A_85 : vector<16xi32>
    %mul3A_87 = arith.constant 128 : i32
    %mul3A_88 = vector.broadcast %mul3A_87 : i32 to vector<16xi32>
    %mul3A_89 = arith.muli %add3A_86, %mul3A_88 : vector<16xi32>
    %swap3A_90 = arith.constant 0 : index
    %swap3A_91 = tpu.vector_load %arg22[%swap3A_90] {strides = array<i32>} : memref<16xi32, #tpu.memory_space<vmem>>, vector<16xi32>,
    tpu.vector_store %arg22[%swap3A_90], %mul3A_89 {strides = array<i32>} : memref<16xi32, #tpu.memory_space<vmem>>, vector<16xi32>,
    %swap3A_92 = arith.constant 0 : index
    %swap3A_93 = tpu.vector_load %arg23[%swap3A_92] {strides = array<i32>} : memref<16xi32, #tpu.memory_space<vmem>>, vector<16xi32>,
    tpu.vector_store %arg23[%swap3A_92], %add3A_86 {strides = array<i32>} : memref<16xi32, #tpu.memory_space<vmem>>, vector<16xi32>,
    %get3A_94 = arith.constant 0 : index
    %get3A_95 = tpu.vector_load %arg15[%get3A_94] {strides = array<i32>} : memref<64xi32, #tpu.memory_space<vmem>>, vector<16xi32>,
    %gather3A_96 = tpu.vector_load_idx %arg22[%get3A_95] : memref<16xi32, #tpu.memory_space<vmem>>[vector<16xi32>], vector<16xi32>,
    %get3A_97 = arith.constant 0 : index
    %get3A_98 = tpu.vector_load %arg17[%get3A_97] {strides = array<i32>} : memref<64xi32, #tpu.memory_space<vmem>>, vector<16xi32>,
    %add3A_99 = arith.addi %gather3A_96, %get3A_98 : vector<16xi32>
    %swap3A_100 = arith.constant 0 : index
    %swap3A_101 = tpu.vector_load %arg25[%swap3A_100] {strides = array<i32>} : memref<64xi32, #tpu.memory_space<vmem>>, vector<16xi32>,
    tpu.vector_store %arg25[%swap3A_100], %add3A_99 {strides = array<i32>} : memref<64xi32, #tpu.memory_space<vmem>>, vector<16xi32>,
    %get3A_102 = arith.constant 0 : index
    %get3A_103 = tpu.vector_load %arg16[%get3A_102] {strides = array<i32>} : memref<64xi32, #tpu.memory_space<vmem>>, vector<16xi32>,
    %gather3A_104 = tpu.vector_load_idx %arg22[%get3A_103] : memref<16xi32, #tpu.memory_space<vmem>>[vector<16xi32>], vector<16xi32>,
    %get3A_105 = arith.constant 0 : index
    %get3A_106 = tpu.vector_load %arg18[%get3A_105] {strides = array<i32>} : memref<64xi32, #tpu.memory_space<vmem>>, vector<16xi32>,
    %add3A_107 = arith.addi %gather3A_104, %get3A_106 : vector<16xi32>
    %swap3A_108 = arith.constant 0 : index
    %swap3A_109 = tpu.vector_load %arg26[%swap3A_108] {strides = array<i32>} : memref<64xi32, #tpu.memory_space<vmem>>, vector<16xi32>,
    tpu.vector_store %arg26[%swap3A_108], %add3A_107 {strides = array<i32>} : memref<64xi32, #tpu.memory_space<vmem>>, vector<16xi32>,
    %get3A_110 = arith.constant 16 : index
    %get3A_111 = tpu.vector_load %arg15[%get3A_110] {strides = array<i32>} : memref<64xi32, #tpu.memory_space<vmem>>, vector<16xi32>,
    %gather3A_112 = tpu.vector_load_idx %arg22[%get3A_111] : memref<16xi32, #tpu.memory_space<vmem>>[vector<16xi32>], vector<16xi32>,
    %get3A_113 = arith.constant 16 : index
    %get3A_114 = tpu.vector_load %arg17[%get3A_113] {strides = array<i32>} : memref<64xi32, #tpu.memory_space<vmem>>, vector<16xi32>,
    %add3A_115 = arith.addi %gather3A_112, %get3A_114 : vector<16xi32>
    %swap3A_116 = arith.constant 16 : index
    %swap3A_117 = tpu.vector_load %arg25[%swap3A_116] {strides = array<i32>} : memref<64xi32, #tpu.memory_space<vmem>>, vector<16xi32>,
    tpu.vector_store %arg25[%swap3A_116], %add3A_115 {strides = array<i32>} : memref<64xi32, #tpu.memory_space<vmem>>, vector<16xi32>,
    %get3A_118 = arith.constant 16 : index
    %get3A_119 = tpu.vector_load %arg16[%get3A_118] {strides = array<i32>} : memref<64xi32, #tpu.memory_space<vmem>>, vector<16xi32>,
    %gather3A_120 = tpu.vector_load_idx %arg22[%get3A_119] : memref<16xi32, #tpu.memory_space<vmem>>[vector<16xi32>], vector<16xi32>,
    %get3A_121 = arith.constant 16 : index
    %get3A_122 = tpu.vector_load %arg18[%get3A_121] {strides = array<i32>} : memref<64xi32, #tpu.memory_space<vmem>>, vector<16xi32>,
    %add3A_123 = arith.addi %gather3A_120, %get3A_122 : vector<16xi32>
    %swap3A_124 = arith.constant 16 : index
    %swap3A_125 = tpu.vector_load %arg26[%swap3A_124] {strides = array<i32>} : memref<64xi32, #tpu.memory_space<vmem>>, vector<16xi32>,
    tpu.vector_store %arg26[%swap3A_124], %add3A_123 {strides = array<i32>} : memref<64xi32, #tpu.memory_space<vmem>>, vector<16xi32>,
    %get3A_126 = arith.constant 32 : index
    %get3A_127 = tpu.vector_load %arg15[%get3A_126] {strides = array<i32>} : memref<64xi32, #tpu.memory_space<vmem>>, vector<16xi32>,
    %gather3A_128 = tpu.vector_load_idx %arg22[%get3A_127] : memref<16xi32, #tpu.memory_space<vmem>>[vector<16xi32>], vector<16xi32>,
    %get3A_129 = arith.constant 32 : index
    %get3A_130 = tpu.vector_load %arg17[%get3A_129] {strides = array<i32>} : memref<64xi32, #tpu.memory_space<vmem>>, vector<16xi32>,
    %add3A_131 = arith.addi %gather3A_128, %get3A_130 : vector<16xi32>
    %swap3A_132 = arith.constant 32 : index
    %swap3A_133 = tpu.vector_load %arg25[%swap3A_132] {strides = array<i32>} : memref<64xi32, #tpu.memory_space<vmem>>, vector<16xi32>,
    tpu.vector_store %arg25[%swap3A_132], %add3A_131 {strides = array<i32>} : memref<64xi32, #tpu.memory_space<vmem>>, vector<16xi32>,
    %get3A_134 = arith.constant 32 : index
    %get3A_135 = tpu.vector_load %arg16[%get3A_134] {strides = array<i32>} : memref<64xi32, #tpu.memory_space<vmem>>, vector<16xi32>,
    %gather3A_136 = tpu.vector_load_idx %arg22[%get3A_135] : memref<16xi32, #tpu.memory_space<vmem>>[vector<16xi32>], vector<16xi32>,
    %get3A_137 = arith.constant 32 : index
    %get3A_138 = tpu.vector_load %arg18[%get3A_137] {strides = array<i32>} : memref<64xi32, #tpu.memory_space<vmem>>, vector<16xi32>,
    %add3A_139 = arith.addi %gather3A_136, %get3A_138 : vector<16xi32>
    %swap3A_140 = arith.constant 32 : index
    %swap3A_141 = tpu.vector_load %arg26[%swap3A_140] {strides = array<i32>} : memref<64xi32, #tpu.memory_space<vmem>>, vector<16xi32>,
    tpu.vector_store %arg26[%swap3A_140], %add3A_139 {strides = array<i32>} : memref<64xi32, #tpu.memory_space<vmem>>, vector<16xi32>,
    %get3A_142 = arith.constant 48 : index
    %get3A_143 = tpu.vector_load %arg15[%get3A_142] {strides = array<i32>} : memref<64xi32, #tpu.memory_space<vmem>>, vector<16xi32>,
    %gather3A_144 = tpu.vector_load_idx %arg22[%get3A_143] : memref<16xi32, #tpu.memory_space<vmem>>[vector<16xi32>], vector<16xi32>,
    %get3A_145 = arith.constant 48 : index
    %get3A_146 = tpu.vector_load %arg17[%get3A_145] {strides = array<i32>} : memref<64xi32, #tpu.memory_space<vmem>>, vector<16xi32>,
    %add3A_147 = arith.addi %gather3A_144, %get3A_146 : vector<16xi32>
    %swap3A_148 = arith.constant 48 : index
    %swap3A_149 = tpu.vector_load %arg25[%swap3A_148] {strides = array<i32>} : memref<64xi32, #tpu.memory_space<vmem>>, vector<16xi32>,
    tpu.vector_store %arg25[%swap3A_148], %add3A_147 {strides = array<i32>} : memref<64xi32, #tpu.memory_space<vmem>>, vector<16xi32>,
    %get3A_150 = arith.constant 48 : index
    %get3A_151 = tpu.vector_load %arg16[%get3A_150] {strides = array<i32>} : memref<64xi32, #tpu.memory_space<vmem>>, vector<16xi32>,
    %gather3A_152 = tpu.vector_load_idx %arg22[%get3A_151] : memref<16xi32, #tpu.memory_space<vmem>>[vector<16xi32>], vector<16xi32>,
    %get3A_153 = arith.constant 48 : index
    %get3A_154 = tpu.vector_load %arg18[%get3A_153] {strides = array<i32>} : memref<64xi32, #tpu.memory_space<vmem>>, vector<16xi32>,
    %add3A_155 = arith.addi %gather3A_152, %get3A_154 : vector<16xi32>
    %swap3A_156 = arith.constant 48 : index
    %swap3A_157 = tpu.vector_load %arg26[%swap3A_156] {strides = array<i32>} : memref<64xi32, #tpu.memory_space<vmem>>, vector<16xi32>,
    tpu.vector_store %arg26[%swap3A_156], %add3A_155 {strides = array<i32>} : memref<64xi32, #tpu.memory_space<vmem>>, vector<16xi32>,
    "tpu.region"() ({
      %run_scoped3A = tpu.sem_alloc : memref<!tpu.dma_semaphore, #tpu.memory_space<semaphore_mem>>
      %dma_start3A_178 = tpu.memref_slice %arg12[%mul3A_2] : memref<2048xi32, #tpu.memory_space<hbm>> -> memref<64xi32, #tpu.memory_space<hbm>>
      %dma_start3A_179 = tpu.memref_slice %arg12[%mul3A_2] : memref<2048xi32, #tpu.memory_space<hbm>> -> memref<64xi32, #tpu.memory_space<hbm>>
      tpu.enqueue_dma source(%arg25 : memref<64xi32, #tpu.memory_space<vmem>>) target(%dma_start3A_179 : memref<64xi32, #tpu.memory_space<hbm>>) target_semaphore(%run_scoped3A : memref<!tpu.dma_semaphore, #tpu.memory_space<semaphore_mem>>)
      %dma_wait3A_180 = tpu.memref_slice %arg12[%mul3A_2] : memref<2048xi32, #tpu.memory_space<hbm>> -> memref<64xi32, #tpu.memory_space<hbm>>
      %dma_wait3A_181 = tpu.memref_slice %arg12[%mul3A_2] : memref<2048xi32, #tpu.memory_space<hbm>> -> memref<64xi32, #tpu.memory_space<hbm>>
      tpu.wait_dma2 semaphore(%run_scoped3A : memref<!tpu.dma_semaphore, #tpu.memory_space<semaphore_mem>>) src(%arg25 : memref<64xi32, #tpu.memory_space<vmem>>) dst(%dma_wait3A_181 : memref<64xi32, #tpu.memory_space<hbm>>)
      tpu.yield
    }) : () -> ()
    "tpu.region"() ({
      %run_scoped3A = tpu.sem_alloc : memref<!tpu.dma_semaphore, #tpu.memory_space<semaphore_mem>>
      %dma_start3A_178 = tpu.memref_slice %arg13[%mul3A_2] : memref<2048xi32, #tpu.memory_space<hbm>> -> memref<64xi32, #tpu.memory_space<hbm>>
      %dma_start3A_179 = tpu.memref_slice %arg13[%mul3A_2] : memref<2048xi32, #tpu.memory_space<hbm>> -> memref<64xi32, #tpu.memory_space<hbm>>
      tpu.enqueue_dma source(%arg26 : memref<64xi32, #tpu.memory_space<vmem>>) target(%dma_start3A_179 : memref<64xi32, #tpu.memory_space<hbm>>) target_semaphore(%run_scoped3A : memref<!tpu.dma_semaphore, #tpu.memory_space<semaphore_mem>>)
      %dma_wait3A_180 = tpu.memref_slice %arg13[%mul3A_2] : memref<2048xi32, #tpu.memory_space<hbm>> -> memref<64xi32, #tpu.memory_space<hbm>>
      %dma_wait3A_181 = tpu.memref_slice %arg13[%mul3A_2] : memref<2048xi32, #tpu.memory_space<hbm>> -> memref<64xi32, #tpu.memory_space<hbm>>
      tpu.wait_dma2 semaphore(%run_scoped3A : memref<!tpu.dma_semaphore, #tpu.memory_space<semaphore_mem>>) src(%arg26 : memref<64xi32, #tpu.memory_space<vmem>>) dst(%dma_wait3A_181 : memref<64xi32, #tpu.memory_space<hbm>>)
      tpu.yield
    }) : () -> ()
    %eq3A = arith.constant 0 : i32
    %eq3A_158 = arith.cmpi eq, %add3A, %eq3A : i32
    %convert_element_type3A = arith.extui %eq3A_158 : i1 to i32
    %cond3A = arith.constant 0 : i32
    %cond3A_159 = arith.cmpi ne, %convert_element_type3A, %cond3A : i32
    scf.if %cond3A_159 {
      %add3A_178 = arith.constant 0 : i32
      %add3A_179 = vector.broadcast %add3A_178 : i32 to vector<16xi32>
      %add3A_180 = arith.addi %iota3A, %add3A_179 : vector<16xi32>
      %broadcast_in_dim3A_181 = arith.constant -1 : i32
      %broadcast_in_dim3A_182 = vector.broadcast %broadcast_in_dim3A_181 : i32 to vector<16xi32>
      %broadcast_in_dim3A_183 = arith.constant 0 : i32
      %broadcast_in_dim3A_184 = vector.broadcast %broadcast_in_dim3A_183 : i32 to vector<16xi32>
      %gather3A_185 = tpu.vector_load_idx %arg23[%broadcast_in_dim3A_184] : memref<16xi32, #tpu.memory_space<vmem>>[vector<16xi32>], vector<16xi32>,
      %ge3A = arith.cmpi sge, %add3A_180, %gather3A_185 : vector<16xi32>
      %jit3A_186 = arith.constant 1 : i32
      %jit3A_187 = arith.constant 0 : i32
      %broadcast_in_dim3A_188 = vector.broadcast %jit3A_186 : i32 to vector<16xi32>
      %broadcast_in_dim3A_189 = vector.broadcast %jit3A_187 : i32 to vector<16xi32>
      %select_n3A_190 = arith.select %ge3A, %broadcast_in_dim3A_188, %broadcast_in_dim3A_189 : vector<16xi1>, vector<16xi32>
      %add3A_191 = arith.addi %broadcast_in_dim3A_182, %select_n3A_190 : vector<16xi32>
      %broadcast_in_dim3A_192 = arith.constant 1 : i32
      %broadcast_in_dim3A_193 = vector.broadcast %broadcast_in_dim3A_192 : i32 to vector<16xi32>
      %gather3A_194 = tpu.vector_load_idx %arg23[%broadcast_in_dim3A_193] : memref<16xi32, #tpu.memory_space<vmem>>[vector<16xi32>], vector<16xi32>,
      %ge3A_195 = arith.cmpi sge, %add3A_180, %gather3A_194 : vector<16xi32>
      %jit3A_196 = arith.constant 1 : i32
      %jit3A_197 = arith.constant 0 : i32
      %broadcast_in_dim3A_198 = vector.broadcast %jit3A_196 : i32 to vector<16xi32>
      %broadcast_in_dim3A_199 = vector.broadcast %jit3A_197 : i32 to vector<16xi32>
      %select_n3A_200 = arith.select %ge3A_195, %broadcast_in_dim3A_198, %broadcast_in_dim3A_199 : vector<16xi1>, vector<16xi32>
      %add3A_201 = arith.addi %add3A_191, %select_n3A_200 : vector<16xi32>
      %broadcast_in_dim3A_202 = arith.constant 2 : i32
      %broadcast_in_dim3A_203 = vector.broadcast %broadcast_in_dim3A_202 : i32 to vector<16xi32>
      %gather3A_204 = tpu.vector_load_idx %arg23[%broadcast_in_dim3A_203] : memref<16xi32, #tpu.memory_space<vmem>>[vector<16xi32>], vector<16xi32>,
      %ge3A_205 = arith.cmpi sge, %add3A_180, %gather3A_204 : vector<16xi32>
      %jit3A_206 = arith.constant 1 : i32
      %jit3A_207 = arith.constant 0 : i32
      %broadcast_in_dim3A_208 = vector.broadcast %jit3A_206 : i32 to vector<16xi32>
      %broadcast_in_dim3A_209 = vector.broadcast %jit3A_207 : i32 to vector<16xi32>
      %select_n3A_210 = arith.select %ge3A_205, %broadcast_in_dim3A_208, %broadcast_in_dim3A_209 : vector<16xi1>, vector<16xi32>
      %add3A_211 = arith.addi %add3A_201, %select_n3A_210 : vector<16xi32>
      %broadcast_in_dim3A_212 = arith.constant 3 : i32
      %broadcast_in_dim3A_213 = vector.broadcast %broadcast_in_dim3A_212 : i32 to vector<16xi32>
      %gather3A_214 = tpu.vector_load_idx %arg23[%broadcast_in_dim3A_213] : memref<16xi32, #tpu.memory_space<vmem>>[vector<16xi32>], vector<16xi32>,
      %ge3A_215 = arith.cmpi sge, %add3A_180, %gather3A_214 : vector<16xi32>
      %jit3A_216 = arith.constant 1 : i32
      %jit3A_217 = arith.constant 0 : i32
      %broadcast_in_dim3A_218 = vector.broadcast %jit3A_216 : i32 to vector<16xi32>
      %broadcast_in_dim3A_219 = vector.broadcast %jit3A_217 : i32 to vector<16xi32>
      %select_n3A_220 = arith.select %ge3A_215, %broadcast_in_dim3A_218, %broadcast_in_dim3A_219 : vector<16xi1>, vector<16xi32>
      %add3A_221 = arith.addi %add3A_211, %select_n3A_220 : vector<16xi32>
      %broadcast_in_dim3A_222 = arith.constant 4 : i32
      %broadcast_in_dim3A_223 = vector.broadcast %broadcast_in_dim3A_222 : i32 to vector<16xi32>
      %gather3A_224 = tpu.vector_load_idx %arg23[%broadcast_in_dim3A_223] : memref<16xi32, #tpu.memory_space<vmem>>[vector<16xi32>], vector<16xi32>,
      %ge3A_225 = arith.cmpi sge, %add3A_180, %gather3A_224 : vector<16xi32>
      %jit3A_226 = arith.constant 1 : i32
      %jit3A_227 = arith.constant 0 : i32
      %broadcast_in_dim3A_228 = vector.broadcast %jit3A_226 : i32 to vector<16xi32>
      %broadcast_in_dim3A_229 = vector.broadcast %jit3A_227 : i32 to vector<16xi32>
      %select_n3A_230 = arith.select %ge3A_225, %broadcast_in_dim3A_228, %broadcast_in_dim3A_229 : vector<16xi1>, vector<16xi32>
      %add3A_231 = arith.addi %add3A_221, %select_n3A_230 : vector<16xi32>
      %broadcast_in_dim3A_232 = arith.constant 5 : i32
      %broadcast_in_dim3A_233 = vector.broadcast %broadcast_in_dim3A_232 : i32 to vector<16xi32>
      %gather3A_234 = tpu.vector_load_idx %arg23[%broadcast_in_dim3A_233] : memref<16xi32, #tpu.memory_space<vmem>>[vector<16xi32>], vector<16xi32>,
      %ge3A_235 = arith.cmpi sge, %add3A_180, %gather3A_234 : vector<16xi32>
      %jit3A_236 = arith.constant 1 : i32
      %jit3A_237 = arith.constant 0 : i32
      %broadcast_in_dim3A_238 = vector.broadcast %jit3A_236 : i32 to vector<16xi32>
      %broadcast_in_dim3A_239 = vector.broadcast %jit3A_237 : i32 to vector<16xi32>
      %select_n3A_240 = arith.select %ge3A_235, %broadcast_in_dim3A_238, %broadcast_in_dim3A_239 : vector<16xi1>, vector<16xi32>
      %add3A_241 = arith.addi %add3A_231, %select_n3A_240 : vector<16xi32>
      %broadcast_in_dim3A_242 = arith.constant 6 : i32
      %broadcast_in_dim3A_243 = vector.broadcast %broadcast_in_dim3A_242 : i32 to vector<16xi32>
      %gather3A_244 = tpu.vector_load_idx %arg23[%broadcast_in_dim3A_243] : memref<16xi32, #tpu.memory_space<vmem>>[vector<16xi32>], vector<16xi32>,
      %ge3A_245 = arith.cmpi sge, %add3A_180, %gather3A_244 : vector<16xi32>
      %jit3A_246 = arith.constant 1 : i32
      %jit3A_247 = arith.constant 0 : i32
      %broadcast_in_dim3A_248 = vector.broadcast %jit3A_246 : i32 to vector<16xi32>
      %broadcast_in_dim3A_249 = vector.broadcast %jit3A_247 : i32 to vector<16xi32>
      %select_n3A_250 = arith.select %ge3A_245, %broadcast_in_dim3A_248, %broadcast_in_dim3A_249 : vector<16xi1>, vector<16xi32>
      %add3A_251 = arith.addi %add3A_241, %select_n3A_250 : vector<16xi32>
      %broadcast_in_dim3A_252 = arith.constant 7 : i32
      %broadcast_in_dim3A_253 = vector.broadcast %broadcast_in_dim3A_252 : i32 to vector<16xi32>
      %gather3A_254 = tpu.vector_load_idx %arg23[%broadcast_in_dim3A_253] : memref<16xi32, #tpu.memory_space<vmem>>[vector<16xi32>], vector<16xi32>,
      %ge3A_255 = arith.cmpi sge, %add3A_180, %gather3A_254 : vector<16xi32>
      %jit3A_256 = arith.constant 1 : i32
      %jit3A_257 = arith.constant 0 : i32
      %broadcast_in_dim3A_258 = vector.broadcast %jit3A_256 : i32 to vector<16xi32>
      %broadcast_in_dim3A_259 = vector.broadcast %jit3A_257 : i32 to vector<16xi32>
      %select_n3A_260 = arith.select %ge3A_255, %broadcast_in_dim3A_258, %broadcast_in_dim3A_259 : vector<16xi1>, vector<16xi32>
      %add3A_261 = arith.addi %add3A_251, %select_n3A_260 : vector<16xi32>
      %min3A = arith.constant 7 : i32
      %min3A_262 = vector.broadcast %min3A : i32 to vector<16xi32>
      %min3A_263 = arith.minsi %add3A_261, %min3A_262 : vector<16xi32>
      %swap3A_264 = arith.constant 0 : index
      %swap3A_265 = tpu.vector_load %arg27[%swap3A_264] {strides = array<i32>} : memref<48xi32, #tpu.memory_space<vmem>>, vector<16xi32>,
      tpu.vector_store %arg27[%swap3A_264], %min3A_263 {strides = array<i32>} : memref<48xi32, #tpu.memory_space<vmem>>, vector<16xi32>,
      %add3A_266 = arith.constant 16 : i32
      %add3A_267 = vector.broadcast %add3A_266 : i32 to vector<16xi32>
      %add3A_268 = arith.addi %iota3A, %add3A_267 : vector<16xi32>
      %broadcast_in_dim3A_269 = arith.constant -1 : i32
      %broadcast_in_dim3A_270 = vector.broadcast %broadcast_in_dim3A_269 : i32 to vector<16xi32>
      %broadcast_in_dim3A_271 = arith.constant 0 : i32
      %broadcast_in_dim3A_272 = vector.broadcast %broadcast_in_dim3A_271 : i32 to vector<16xi32>
      %gather3A_273 = tpu.vector_load_idx %arg23[%broadcast_in_dim3A_272] : memref<16xi32, #tpu.memory_space<vmem>>[vector<16xi32>], vector<16xi32>,
      %ge3A_274 = arith.cmpi sge, %add3A_268, %gather3A_273 : vector<16xi32>
      %jit3A_275 = arith.constant 1 : i32
      %jit3A_276 = arith.constant 0 : i32
      %broadcast_in_dim3A_277 = vector.broadcast %jit3A_275 : i32 to vector<16xi32>
      %broadcast_in_dim3A_278 = vector.broadcast %jit3A_276 : i32 to vector<16xi32>
      %select_n3A_279 = arith.select %ge3A_274, %broadcast_in_dim3A_277, %broadcast_in_dim3A_278 : vector<16xi1>, vector<16xi32>
      %add3A_280 = arith.addi %broadcast_in_dim3A_270, %select_n3A_279 : vector<16xi32>
      %broadcast_in_dim3A_281 = arith.constant 1 : i32
      %broadcast_in_dim3A_282 = vector.broadcast %broadcast_in_dim3A_281 : i32 to vector<16xi32>
      %gather3A_283 = tpu.vector_load_idx %arg23[%broadcast_in_dim3A_282] : memref<16xi32, #tpu.memory_space<vmem>>[vector<16xi32>], vector<16xi32>,
      %ge3A_284 = arith.cmpi sge, %add3A_268, %gather3A_283 : vector<16xi32>
      %jit3A_285 = arith.constant 1 : i32
      %jit3A_286 = arith.constant 0 : i32
      %broadcast_in_dim3A_287 = vector.broadcast %jit3A_285 : i32 to vector<16xi32>
      %broadcast_in_dim3A_288 = vector.broadcast %jit3A_286 : i32 to vector<16xi32>
      %select_n3A_289 = arith.select %ge3A_284, %broadcast_in_dim3A_287, %broadcast_in_dim3A_288 : vector<16xi1>, vector<16xi32>
      %add3A_290 = arith.addi %add3A_280, %select_n3A_289 : vector<16xi32>
      %broadcast_in_dim3A_291 = arith.constant 2 : i32
      %broadcast_in_dim3A_292 = vector.broadcast %broadcast_in_dim3A_291 : i32 to vector<16xi32>
      %gather3A_293 = tpu.vector_load_idx %arg23[%broadcast_in_dim3A_292] : memref<16xi32, #tpu.memory_space<vmem>>[vector<16xi32>], vector<16xi32>,
      %ge3A_294 = arith.cmpi sge, %add3A_268, %gather3A_293 : vector<16xi32>
      %jit3A_295 = arith.constant 1 : i32
      %jit3A_296 = arith.constant 0 : i32
      %broadcast_in_dim3A_297 = vector.broadcast %jit3A_295 : i32 to vector<16xi32>
      %broadcast_in_dim3A_298 = vector.broadcast %jit3A_296 : i32 to vector<16xi32>
      %select_n3A_299 = arith.select %ge3A_294, %broadcast_in_dim3A_297, %broadcast_in_dim3A_298 : vector<16xi1>, vector<16xi32>
      %add3A_300 = arith.addi %add3A_290, %select_n3A_299 : vector<16xi32>
      %broadcast_in_dim3A_301 = arith.constant 3 : i32
      %broadcast_in_dim3A_302 = vector.broadcast %broadcast_in_dim3A_301 : i32 to vector<16xi32>
      %gather3A_303 = tpu.vector_load_idx %arg23[%broadcast_in_dim3A_302] : memref<16xi32, #tpu.memory_space<vmem>>[vector<16xi32>], vector<16xi32>,
      %ge3A_304 = arith.cmpi sge, %add3A_268, %gather3A_303 : vector<16xi32>
      %jit3A_305 = arith.constant 1 : i32
      %jit3A_306 = arith.constant 0 : i32
      %broadcast_in_dim3A_307 = vector.broadcast %jit3A_305 : i32 to vector<16xi32>
      %broadcast_in_dim3A_308 = vector.broadcast %jit3A_306 : i32 to vector<16xi32>
      %select_n3A_309 = arith.select %ge3A_304, %broadcast_in_dim3A_307, %broadcast_in_dim3A_308 : vector<16xi1>, vector<16xi32>
      %add3A_310 = arith.addi %add3A_300, %select_n3A_309 : vector<16xi32>
      %broadcast_in_dim3A_311 = arith.constant 4 : i32
      %broadcast_in_dim3A_312 = vector.broadcast %broadcast_in_dim3A_311 : i32 to vector<16xi32>
      %gather3A_313 = tpu.vector_load_idx %arg23[%broadcast_in_dim3A_312] : memref<16xi32, #tpu.memory_space<vmem>>[vector<16xi32>], vector<16xi32>,
      %ge3A_314 = arith.cmpi sge, %add3A_268, %gather3A_313 : vector<16xi32>
      %jit3A_315 = arith.constant 1 : i32
      %jit3A_316 = arith.constant 0 : i32
      %broadcast_in_dim3A_317 = vector.broadcast %jit3A_315 : i32 to vector<16xi32>
      %broadcast_in_dim3A_318 = vector.broadcast %jit3A_316 : i32 to vector<16xi32>
      %select_n3A_319 = arith.select %ge3A_314, %broadcast_in_dim3A_317, %broadcast_in_dim3A_318 : vector<16xi1>, vector<16xi32>
      %add3A_320 = arith.addi %add3A_310, %select_n3A_319 : vector<16xi32>
      %broadcast_in_dim3A_321 = arith.constant 5 : i32
      %broadcast_in_dim3A_322 = vector.broadcast %broadcast_in_dim3A_321 : i32 to vector<16xi32>
      %gather3A_323 = tpu.vector_load_idx %arg23[%broadcast_in_dim3A_322] : memref<16xi32, #tpu.memory_space<vmem>>[vector<16xi32>], vector<16xi32>,
      %ge3A_324 = arith.cmpi sge, %add3A_268, %gather3A_323 : vector<16xi32>
      %jit3A_325 = arith.constant 1 : i32
      %jit3A_326 = arith.constant 0 : i32
      %broadcast_in_dim3A_327 = vector.broadcast %jit3A_325 : i32 to vector<16xi32>
      %broadcast_in_dim3A_328 = vector.broadcast %jit3A_326 : i32 to vector<16xi32>
      %select_n3A_329 = arith.select %ge3A_324, %broadcast_in_dim3A_327, %broadcast_in_dim3A_328 : vector<16xi1>, vector<16xi32>
      %add3A_330 = arith.addi %add3A_320, %select_n3A_329 : vector<16xi32>
      %broadcast_in_dim3A_331 = arith.constant 6 : i32
      %broadcast_in_dim3A_332 = vector.broadcast %broadcast_in_dim3A_331 : i32 to vector<16xi32>
      %gather3A_333 = tpu.vector_load_idx %arg23[%broadcast_in_dim3A_332] : memref<16xi32, #tpu.memory_space<vmem>>[vector<16xi32>], vector<16xi32>,
      %ge3A_334 = arith.cmpi sge, %add3A_268, %gather3A_333 : vector<16xi32>
      %jit3A_335 = arith.constant 1 : i32
      %jit3A_336 = arith.constant 0 : i32
      %broadcast_in_dim3A_337 = vector.broadcast %jit3A_335 : i32 to vector<16xi32>
      %broadcast_in_dim3A_338 = vector.broadcast %jit3A_336 : i32 to vector<16xi32>
      %select_n3A_339 = arith.select %ge3A_334, %broadcast_in_dim3A_337, %broadcast_in_dim3A_338 : vector<16xi1>, vector<16xi32>
      %add3A_340 = arith.addi %add3A_330, %select_n3A_339 : vector<16xi32>
      %broadcast_in_dim3A_341 = arith.constant 7 : i32
      %broadcast_in_dim3A_342 = vector.broadcast %broadcast_in_dim3A_341 : i32 to vector<16xi32>
      %gather3A_343 = tpu.vector_load_idx %arg23[%broadcast_in_dim3A_342] : memref<16xi32, #tpu.memory_space<vmem>>[vector<16xi32>], vector<16xi32>,
      %ge3A_344 = arith.cmpi sge, %add3A_268, %gather3A_343 : vector<16xi32>
      %jit3A_345 = arith.constant 1 : i32
      %jit3A_346 = arith.constant 0 : i32
      %broadcast_in_dim3A_347 = vector.broadcast %jit3A_345 : i32 to vector<16xi32>
      %broadcast_in_dim3A_348 = vector.broadcast %jit3A_346 : i32 to vector<16xi32>
      %select_n3A_349 = arith.select %ge3A_344, %broadcast_in_dim3A_347, %broadcast_in_dim3A_348 : vector<16xi1>, vector<16xi32>
      %add3A_350 = arith.addi %add3A_340, %select_n3A_349 : vector<16xi32>
      %min3A_351 = arith.constant 7 : i32
      %min3A_352 = vector.broadcast %min3A_351 : i32 to vector<16xi32>
      %min3A_353 = arith.minsi %add3A_350, %min3A_352 : vector<16xi32>
      %swap3A_354 = arith.constant 16 : index
      %swap3A_355 = tpu.vector_load %arg27[%swap3A_354] {strides = array<i32>} : memref<48xi32, #tpu.memory_space<vmem>>, vector<16xi32>,
      tpu.vector_store %arg27[%swap3A_354], %min3A_353 {strides = array<i32>} : memref<48xi32, #tpu.memory_space<vmem>>, vector<16xi32>,
      %add3A_356 = arith.constant 32 : i32
      %add3A_357 = vector.broadcast %add3A_356 : i32 to vector<16xi32>
      %add3A_358 = arith.addi %iota3A, %add3A_357 : vector<16xi32>
      %broadcast_in_dim3A_359 = arith.constant -1 : i32
      %broadcast_in_dim3A_360 = vector.broadcast %broadcast_in_dim3A_359 : i32 to vector<16xi32>
      %broadcast_in_dim3A_361 = arith.constant 0 : i32
      %broadcast_in_dim3A_362 = vector.broadcast %broadcast_in_dim3A_361 : i32 to vector<16xi32>
      %gather3A_363 = tpu.vector_load_idx %arg23[%broadcast_in_dim3A_362] : memref<16xi32, #tpu.memory_space<vmem>>[vector<16xi32>], vector<16xi32>,
      %ge3A_364 = arith.cmpi sge, %add3A_358, %gather3A_363 : vector<16xi32>
      %jit3A_365 = arith.constant 1 : i32
      %jit3A_366 = arith.constant 0 : i32
      %broadcast_in_dim3A_367 = vector.broadcast %jit3A_365 : i32 to vector<16xi32>
      %broadcast_in_dim3A_368 = vector.broadcast %jit3A_366 : i32 to vector<16xi32>
      %select_n3A_369 = arith.select %ge3A_364, %broadcast_in_dim3A_367, %broadcast_in_dim3A_368 : vector<16xi1>, vector<16xi32>
      %add3A_370 = arith.addi %broadcast_in_dim3A_360, %select_n3A_369 : vector<16xi32>
      %broadcast_in_dim3A_371 = arith.constant 1 : i32
      %broadcast_in_dim3A_372 = vector.broadcast %broadcast_in_dim3A_371 : i32 to vector<16xi32>
      %gather3A_373 = tpu.vector_load_idx %arg23[%broadcast_in_dim3A_372] : memref<16xi32, #tpu.memory_space<vmem>>[vector<16xi32>], vector<16xi32>,
      %ge3A_374 = arith.cmpi sge, %add3A_358, %gather3A_373 : vector<16xi32>
      %jit3A_375 = arith.constant 1 : i32
      %jit3A_376 = arith.constant 0 : i32
      %broadcast_in_dim3A_377 = vector.broadcast %jit3A_375 : i32 to vector<16xi32>
      %broadcast_in_dim3A_378 = vector.broadcast %jit3A_376 : i32 to vector<16xi32>
      %select_n3A_379 = arith.select %ge3A_374, %broadcast_in_dim3A_377, %broadcast_in_dim3A_378 : vector<16xi1>, vector<16xi32>
      %add3A_380 = arith.addi %add3A_370, %select_n3A_379 : vector<16xi32>
      %broadcast_in_dim3A_381 = arith.constant 2 : i32
      %broadcast_in_dim3A_382 = vector.broadcast %broadcast_in_dim3A_381 : i32 to vector<16xi32>
      %gather3A_383 = tpu.vector_load_idx %arg23[%broadcast_in_dim3A_382] : memref<16xi32, #tpu.memory_space<vmem>>[vector<16xi32>], vector<16xi32>,
      %ge3A_384 = arith.cmpi sge, %add3A_358, %gather3A_383 : vector<16xi32>
      %jit3A_385 = arith.constant 1 : i32
      %jit3A_386 = arith.constant 0 : i32
      %broadcast_in_dim3A_387 = vector.broadcast %jit3A_385 : i32 to vector<16xi32>
      %broadcast_in_dim3A_388 = vector.broadcast %jit3A_386 : i32 to vector<16xi32>
      %select_n3A_389 = arith.select %ge3A_384, %broadcast_in_dim3A_387, %broadcast_in_dim3A_388 : vector<16xi1>, vector<16xi32>
      %add3A_390 = arith.addi %add3A_380, %select_n3A_389 : vector<16xi32>
      %broadcast_in_dim3A_391 = arith.constant 3 : i32
      %broadcast_in_dim3A_392 = vector.broadcast %broadcast_in_dim3A_391 : i32 to vector<16xi32>
      %gather3A_393 = tpu.vector_load_idx %arg23[%broadcast_in_dim3A_392] : memref<16xi32, #tpu.memory_space<vmem>>[vector<16xi32>], vector<16xi32>,
      %ge3A_394 = arith.cmpi sge, %add3A_358, %gather3A_393 : vector<16xi32>
      %jit3A_395 = arith.constant 1 : i32
      %jit3A_396 = arith.constant 0 : i32
      %broadcast_in_dim3A_397 = vector.broadcast %jit3A_395 : i32 to vector<16xi32>
      %broadcast_in_dim3A_398 = vector.broadcast %jit3A_396 : i32 to vector<16xi32>
      %select_n3A_399 = arith.select %ge3A_394, %broadcast_in_dim3A_397, %broadcast_in_dim3A_398 : vector<16xi1>, vector<16xi32>
      %add3A_400 = arith.addi %add3A_390, %select_n3A_399 : vector<16xi32>
      %broadcast_in_dim3A_401 = arith.constant 4 : i32
      %broadcast_in_dim3A_402 = vector.broadcast %broadcast_in_dim3A_401 : i32 to vector<16xi32>
      %gather3A_403 = tpu.vector_load_idx %arg23[%broadcast_in_dim3A_402] : memref<16xi32, #tpu.memory_space<vmem>>[vector<16xi32>], vector<16xi32>,
      %ge3A_404 = arith.cmpi sge, %add3A_358, %gather3A_403 : vector<16xi32>
      %jit3A_405 = arith.constant 1 : i32
      %jit3A_406 = arith.constant 0 : i32
      %broadcast_in_dim3A_407 = vector.broadcast %jit3A_405 : i32 to vector<16xi32>
      %broadcast_in_dim3A_408 = vector.broadcast %jit3A_406 : i32 to vector<16xi32>
      %select_n3A_409 = arith.select %ge3A_404, %broadcast_in_dim3A_407, %broadcast_in_dim3A_408 : vector<16xi1>, vector<16xi32>
      %add3A_410 = arith.addi %add3A_400, %select_n3A_409 : vector<16xi32>
      %broadcast_in_dim3A_411 = arith.constant 5 : i32
      %broadcast_in_dim3A_412 = vector.broadcast %broadcast_in_dim3A_411 : i32 to vector<16xi32>
      %gather3A_413 = tpu.vector_load_idx %arg23[%broadcast_in_dim3A_412] : memref<16xi32, #tpu.memory_space<vmem>>[vector<16xi32>], vector<16xi32>,
      %ge3A_414 = arith.cmpi sge, %add3A_358, %gather3A_413 : vector<16xi32>
      %jit3A_415 = arith.constant 1 : i32
      %jit3A_416 = arith.constant 0 : i32
      %broadcast_in_dim3A_417 = vector.broadcast %jit3A_415 : i32 to vector<16xi32>
      %broadcast_in_dim3A_418 = vector.broadcast %jit3A_416 : i32 to vector<16xi32>
      %select_n3A_419 = arith.select %ge3A_414, %broadcast_in_dim3A_417, %broadcast_in_dim3A_418 : vector<16xi1>, vector<16xi32>
      %add3A_420 = arith.addi %add3A_410, %select_n3A_419 : vector<16xi32>
      %broadcast_in_dim3A_421 = arith.constant 6 : i32
      %broadcast_in_dim3A_422 = vector.broadcast %broadcast_in_dim3A_421 : i32 to vector<16xi32>
      %gather3A_423 = tpu.vector_load_idx %arg23[%broadcast_in_dim3A_422] : memref<16xi32, #tpu.memory_space<vmem>>[vector<16xi32>], vector<16xi32>,
      %ge3A_424 = arith.cmpi sge, %add3A_358, %gather3A_423 : vector<16xi32>
      %jit3A_425 = arith.constant 1 : i32
      %jit3A_426 = arith.constant 0 : i32
      %broadcast_in_dim3A_427 = vector.broadcast %jit3A_425 : i32 to vector<16xi32>
      %broadcast_in_dim3A_428 = vector.broadcast %jit3A_426 : i32 to vector<16xi32>
      %select_n3A_429 = arith.select %ge3A_424, %broadcast_in_dim3A_427, %broadcast_in_dim3A_428 : vector<16xi1>, vector<16xi32>
      %add3A_430 = arith.addi %add3A_420, %select_n3A_429 : vector<16xi32>
      %broadcast_in_dim3A_431 = arith.constant 7 : i32
      %broadcast_in_dim3A_432 = vector.broadcast %broadcast_in_dim3A_431 : i32 to vector<16xi32>
      %gather3A_433 = tpu.vector_load_idx %arg23[%broadcast_in_dim3A_432] : memref<16xi32, #tpu.memory_space<vmem>>[vector<16xi32>], vector<16xi32>,
      %ge3A_434 = arith.cmpi sge, %add3A_358, %gather3A_433 : vector<16xi32>
      %jit3A_435 = arith.constant 1 : i32
      %jit3A_436 = arith.constant 0 : i32
      %broadcast_in_dim3A_437 = vector.broadcast %jit3A_435 : i32 to vector<16xi32>
      %broadcast_in_dim3A_438 = vector.broadcast %jit3A_436 : i32 to vector<16xi32>
      %select_n3A_439 = arith.select %ge3A_434, %broadcast_in_dim3A_437, %broadcast_in_dim3A_438 : vector<16xi1>, vector<16xi32>
      %add3A_440 = arith.addi %add3A_430, %select_n3A_439 : vector<16xi32>
      %min3A_441 = arith.constant 7 : i32
      %min3A_442 = vector.broadcast %min3A_441 : i32 to vector<16xi32>
      %min3A_443 = arith.minsi %add3A_440, %min3A_442 : vector<16xi32>
      %swap3A_444 = arith.constant 32 : index
      %swap3A_445 = tpu.vector_load %arg27[%swap3A_444] {strides = array<i32>} : memref<48xi32, #tpu.memory_space<vmem>>, vector<16xi32>,
      tpu.vector_store %arg27[%swap3A_444], %min3A_443 {strides = array<i32>} : memref<48xi32, #tpu.memory_space<vmem>>, vector<16xi32>,
      "tpu.region"() ({
        %run_scoped3A = tpu.sem_alloc : memref<!tpu.dma_semaphore, #tpu.memory_space<semaphore_mem>>
        tpu.enqueue_dma source(%arg27 : memref<48xi32, #tpu.memory_space<vmem>>) target(%arg14 : memref<48xi32, #tpu.memory_space<hbm>>) target_semaphore(%run_scoped3A : memref<!tpu.dma_semaphore, #tpu.memory_space<semaphore_mem>>)
        tpu.wait_dma2 semaphore(%run_scoped3A : memref<!tpu.dma_semaphore, #tpu.memory_space<semaphore_mem>>) src(%arg27 : memref<48xi32, #tpu.memory_space<vmem>>) dst(%arg14 : memref<48xi32, #tpu.memory_space<hbm>>)
        tpu.yield
      }) : () -> ()
    } else {
    }
    "tpu.region"() ({
      %run_scoped3A = tpu.sem_alloc : memref<!tpu.dma_semaphore, #tpu.memory_space<semaphore_mem>>
      %dma_start3A_178 = arith.constant 0 : i32
      %dma_start3A_179 = tpu.memref_slice %arg2[%mul3A_2, %dma_start3A_178] : memref<2048x1024xf32, #tpu.memory_space<hbm>> -> memref<64x1024xf32, #tpu.memory_space<hbm>>
      %dma_start3A_180 = arith.constant 0 : i32
      %dma_start3A_181 = tpu.memref_slice %arg2[%mul3A_2, %dma_start3A_180] : memref<2048x1024xf32, #tpu.memory_space<hbm>> -> memref<64x1024xf32, #tpu.memory_space<hbm>>
      tpu.enqueue_dma source(%dma_start3A_181 : memref<64x1024xf32, #tpu.memory_space<hbm>>) target(%arg28 : memref<64x1024xf32, #tpu.memory_space<vmem>>) target_semaphore(%run_scoped3A : memref<!tpu.dma_semaphore, #tpu.memory_space<semaphore_mem>>)
      %dma_wait3A_182 = arith.constant 0 : i32
      %dma_wait3A_183 = tpu.memref_slice %arg2[%mul3A_2, %dma_wait3A_182] : memref<2048x1024xf32, #tpu.memory_space<hbm>> -> memref<64x1024xf32, #tpu.memory_space<hbm>>
      %dma_wait3A_184 = arith.constant 0 : i32
      %dma_wait3A_185 = tpu.memref_slice %arg2[%mul3A_2, %dma_wait3A_184] : memref<2048x1024xf32, #tpu.memory_space<hbm>> -> memref<64x1024xf32, #tpu.memory_space<hbm>>
      tpu.wait_dma2 semaphore(%run_scoped3A : memref<!tpu.dma_semaphore, #tpu.memory_space<semaphore_mem>>) src(%dma_wait3A_185 : memref<64x1024xf32, #tpu.memory_space<hbm>>) dst(%arg28 : memref<64x1024xf32, #tpu.memory_space<vmem>>)
      tpu.yield
    }) : () -> ()
    %dma_start3A = arith.constant 0 : i32
    %dma_start3A_160 = arith.constant 0 : i32
    %dma_start3A_161 = tpu.memref_slice %arg10[%dma_start3A, %dma_start3A_160] : memref<4992x1024xf32, #tpu.memory_space<hbm>> -> memref<4992x1024xf32, #tpu.memory_space<hbm>>
    tpu.enqueue_indirect_dma source(%arg28 : memref<64x1024xf32, #tpu.memory_space<vmem>>) target(%dma_start3A_161 : memref<4992x1024xf32, #tpu.memory_space<hbm>>) offsets(%arg25 : memref<64xi32, #tpu.memory_space<vmem>>) semaphore(%arg29 : memref<!tpu.dma_semaphore, #tpu.memory_space<semaphore_mem>>)
    %dma_start3A_162 = arith.constant 0 : i32
    %dma_start3A_163 = arith.constant 0 : i32
    %dma_start3A_164 = tpu.memref_slice %arg10[%dma_start3A_162, %dma_start3A_163] : memref<4992x1024xf32, #tpu.memory_space<hbm>> -> memref<4992x1024xf32, #tpu.memory_space<hbm>>
    tpu.enqueue_indirect_dma source(%arg28 : memref<64x1024xf32, #tpu.memory_space<vmem>>) target(%dma_start3A_164 : memref<4992x1024xf32, #tpu.memory_space<hbm>>) offsets(%arg26 : memref<64xi32, #tpu.memory_space<vmem>>) semaphore(%arg30 : memref<!tpu.dma_semaphore, #tpu.memory_space<semaphore_mem>>)
    %dma_start3A_165 = arith.constant 0 : i32
    %dma_start3A_166 = tpu.memref_slice %arg11[%dma_start3A_165] : memref<4992xf32, #tpu.memory_space<hbm>> -> memref<4992xf32, #tpu.memory_space<hbm>>
    tpu.enqueue_indirect_dma source(%arg19 : memref<64xf32, #tpu.memory_space<vmem>>) target(%dma_start3A_166 : memref<4992xf32, #tpu.memory_space<hbm>>) offsets(%arg25 : memref<64xi32, #tpu.memory_space<vmem>>) semaphore(%arg31 : memref<!tpu.dma_semaphore, #tpu.memory_space<semaphore_mem>>)
    %dma_start3A_167 = arith.constant 0 : i32
    %dma_start3A_168 = tpu.memref_slice %arg11[%dma_start3A_167] : memref<4992xf32, #tpu.memory_space<hbm>> -> memref<4992xf32, #tpu.memory_space<hbm>>
    tpu.enqueue_indirect_dma source(%arg20 : memref<64xf32, #tpu.memory_space<vmem>>) target(%dma_start3A_168 : memref<4992xf32, #tpu.memory_space<hbm>>) offsets(%arg26 : memref<64xi32, #tpu.memory_space<vmem>>) semaphore(%arg32 : memref<!tpu.dma_semaphore, #tpu.memory_space<semaphore_mem>>)
    %dma_wait3A = arith.constant 0 : i32
    %dma_wait3A_169 = arith.constant 0 : i32
    %dma_wait3A_170 = tpu.memref_slice %arg10[%dma_wait3A, %dma_wait3A_169] : memref<4992x1024xf32, #tpu.memory_space<hbm>> -> memref<4992x1024xf32, #tpu.memory_space<hbm>>
    tpu.wait_indirect_dma semaphore(%arg29 : memref<!tpu.dma_semaphore, #tpu.memory_space<semaphore_mem>>) src(%arg28 : memref<64x1024xf32, #tpu.memory_space<vmem>>) dst(%dma_wait3A_170 : memref<4992x1024xf32, #tpu.memory_space<hbm>>)
    %dma_wait3A_171 = arith.constant 0 : i32
    %dma_wait3A_172 = arith.constant 0 : i32
    %dma_wait3A_173 = tpu.memref_slice %arg10[%dma_wait3A_171, %dma_wait3A_172] : memref<4992x1024xf32, #tpu.memory_space<hbm>> -> memref<4992x1024xf32, #tpu.memory_space<hbm>>
    tpu.wait_indirect_dma semaphore(%arg30 : memref<!tpu.dma_semaphore, #tpu.memory_space<semaphore_mem>>) src(%arg28 : memref<64x1024xf32, #tpu.memory_space<vmem>>) dst(%dma_wait3A_173 : memref<4992x1024xf32, #tpu.memory_space<hbm>>)
    %dma_wait3A_174 = arith.constant 0 : i32
    %dma_wait3A_175 = tpu.memref_slice %arg11[%dma_wait3A_174] : memref<4992xf32, #tpu.memory_space<hbm>> -> memref<4992xf32, #tpu.memory_space<hbm>>
    tpu.wait_indirect_dma semaphore(%arg31 : memref<!tpu.dma_semaphore, #tpu.memory_space<semaphore_mem>>) src(%arg19 : memref<64xf32, #tpu.memory_space<vmem>>) dst(%dma_wait3A_175 : memref<4992xf32, #tpu.memory_space<hbm>>)
    %dma_wait3A_176 = arith.constant 0 : i32
    %dma_wait3A_177 = tpu.memref_slice %arg11[%dma_wait3A_176] : memref<4992xf32, #tpu.memory_space<hbm>> -> memref<4992xf32, #tpu.memory_space<hbm>>
    tpu.wait_indirect_dma semaphore(%arg32 : memref<!tpu.dma_semaphore, #tpu.memory_space<semaphore_mem>>) src(%arg20 : memref<64xf32, #tpu.memory_space<vmem>>) dst(%dma_wait3A_177 : memref<4992xf32, #tpu.memory_space<hbm>>)
    return
  }
}

#map = affine_map<(d0, d1) -> (0, 0)>
#map1 = affine_map<(d0, d1) -> (0)>
module attributes {stable_mosaic.version = 14 : i64} {
  func.func @_k4_body(%arg0: i32, %arg1: i32, %arg2: memref<2048x1024xf32, #tpu.memory_space<hbm>>, %arg3: memref<4992x1024xf32, #tpu.memory_space<hbm>>, %arg4: memref<2048xi32, #tpu.memory_space<hbm>>, %arg5: memref<2048xi32, #tpu.memory_space<hbm>>, %arg6: memref<2048x1024xf32, #tpu.memory_space<hbm>>, %arg7: memref<64xi32, #tpu.memory_space<vmem>>, %arg8: memref<64xi32, #tpu.memory_space<vmem>>, %arg9: memref<64x1024xf32, #tpu.memory_space<vmem>>, %arg10: memref<!tpu.dma_semaphore, #tpu.memory_space<semaphore_mem>>) attributes {dimension_semantics = [#tpu.dimension_semantics<core_parallel>, #tpu.dimension_semantics<subcore_parallel>], iteration_bounds = array<i64: 2, 16>, scalar_prefetch = 0 : i64, scratch_operands = 4 : i64, tpu.core_type = #tpu.core_type<sc_vector_subcore>, window_params = [{transform_indices = #map}, {transform_indices = #map}, {transform_indices = #map1}, {transform_indices = #map1}, {transform_indices = #map}]} {
    %mul3A = arith.constant 2 : i32
    %mul3A_0 = arith.muli %arg1, %mul3A : i32
    %add3A = arith.addi %mul3A_0, %arg0 : i32
    %mul3A_1 = arith.constant 64 : i32
    %mul3A_2 = arith.muli %add3A, %mul3A_1 : i32
    "tpu.region"() ({
      %run_scoped3A = tpu.sem_alloc : memref<!tpu.dma_semaphore, #tpu.memory_space<semaphore_mem>>
      %dma_start3A_13 = tpu.memref_slice %arg4[%mul3A_2] : memref<2048xi32, #tpu.memory_space<hbm>> -> memref<64xi32, #tpu.memory_space<hbm>>
      %dma_start3A_14 = tpu.memref_slice %arg4[%mul3A_2] : memref<2048xi32, #tpu.memory_space<hbm>> -> memref<64xi32, #tpu.memory_space<hbm>>
      tpu.enqueue_dma source(%dma_start3A_14 : memref<64xi32, #tpu.memory_space<hbm>>) target(%arg7 : memref<64xi32, #tpu.memory_space<vmem>>) target_semaphore(%run_scoped3A : memref<!tpu.dma_semaphore, #tpu.memory_space<semaphore_mem>>)
      %dma_wait3A_15 = tpu.memref_slice %arg4[%mul3A_2] : memref<2048xi32, #tpu.memory_space<hbm>> -> memref<64xi32, #tpu.memory_space<hbm>>
      %dma_wait3A_16 = tpu.memref_slice %arg4[%mul3A_2] : memref<2048xi32, #tpu.memory_space<hbm>> -> memref<64xi32, #tpu.memory_space<hbm>>
      tpu.wait_dma2 semaphore(%run_scoped3A : memref<!tpu.dma_semaphore, #tpu.memory_space<semaphore_mem>>) src(%dma_wait3A_16 : memref<64xi32, #tpu.memory_space<hbm>>) dst(%arg7 : memref<64xi32, #tpu.memory_space<vmem>>)
      tpu.yield
    }) : () -> ()
    "tpu.region"() ({
      %run_scoped3A = tpu.sem_alloc : memref<!tpu.dma_semaphore, #tpu.memory_space<semaphore_mem>>
      %dma_start3A_13 = tpu.memref_slice %arg5[%mul3A_2] : memref<2048xi32, #tpu.memory_space<hbm>> -> memref<64xi32, #tpu.memory_space<hbm>>
      %dma_start3A_14 = tpu.memref_slice %arg5[%mul3A_2] : memref<2048xi32, #tpu.memory_space<hbm>> -> memref<64xi32, #tpu.memory_space<hbm>>
      tpu.enqueue_dma source(%dma_start3A_14 : memref<64xi32, #tpu.memory_space<hbm>>) target(%arg8 : memref<64xi32, #tpu.memory_space<vmem>>) target_semaphore(%run_scoped3A : memref<!tpu.dma_semaphore, #tpu.memory_space<semaphore_mem>>)
      %dma_wait3A_15 = tpu.memref_slice %arg5[%mul3A_2] : memref<2048xi32, #tpu.memory_space<hbm>> -> memref<64xi32, #tpu.memory_space<hbm>>
      %dma_wait3A_16 = tpu.memref_slice %arg5[%mul3A_2] : memref<2048xi32, #tpu.memory_space<hbm>> -> memref<64xi32, #tpu.memory_space<hbm>>
      tpu.wait_dma2 semaphore(%run_scoped3A : memref<!tpu.dma_semaphore, #tpu.memory_space<semaphore_mem>>) src(%dma_wait3A_16 : memref<64xi32, #tpu.memory_space<hbm>>) dst(%arg8 : memref<64xi32, #tpu.memory_space<vmem>>)
      tpu.yield
    }) : () -> ()
    "tpu.region"() ({
      %run_scoped3A = tpu.sem_alloc : memref<!tpu.dma_semaphore, #tpu.memory_space<semaphore_mem>>
      %dma_start3A_13 = arith.constant 0 : i32
      %dma_start3A_14 = tpu.memref_slice %arg2[%mul3A_2, %dma_start3A_13] : memref<2048x1024xf32, #tpu.memory_space<hbm>> -> memref<64x1024xf32, #tpu.memory_space<hbm>>
      %dma_start3A_15 = arith.constant 0 : i32
      %dma_start3A_16 = tpu.memref_slice %arg2[%mul3A_2, %dma_start3A_15] : memref<2048x1024xf32, #tpu.memory_space<hbm>> -> memref<64x1024xf32, #tpu.memory_space<hbm>>
      tpu.enqueue_dma source(%dma_start3A_16 : memref<64x1024xf32, #tpu.memory_space<hbm>>) target(%arg9 : memref<64x1024xf32, #tpu.memory_space<vmem>>) target_semaphore(%run_scoped3A : memref<!tpu.dma_semaphore, #tpu.memory_space<semaphore_mem>>)
      %dma_wait3A_17 = arith.constant 0 : i32
      %dma_wait3A_18 = tpu.memref_slice %arg2[%mul3A_2, %dma_wait3A_17] : memref<2048x1024xf32, #tpu.memory_space<hbm>> -> memref<64x1024xf32, #tpu.memory_space<hbm>>
      %dma_wait3A_19 = arith.constant 0 : i32
      %dma_wait3A_20 = tpu.memref_slice %arg2[%mul3A_2, %dma_wait3A_19] : memref<2048x1024xf32, #tpu.memory_space<hbm>> -> memref<64x1024xf32, #tpu.memory_space<hbm>>
      tpu.wait_dma2 semaphore(%run_scoped3A : memref<!tpu.dma_semaphore, #tpu.memory_space<semaphore_mem>>) src(%dma_wait3A_20 : memref<64x1024xf32, #tpu.memory_space<hbm>>) dst(%arg9 : memref<64x1024xf32, #tpu.memory_space<vmem>>)
      tpu.yield
    }) : () -> ()
    %dma_start3A = arith.constant 0 : i32
    %dma_start3A_3 = arith.constant 0 : i32
    %dma_start3A_4 = tpu.memref_slice %arg3[%dma_start3A, %dma_start3A_3] : memref<4992x1024xf32, #tpu.memory_space<hbm>> -> memref<4992x1024xf32, #tpu.memory_space<hbm>>
    tpu.enqueue_indirect_dma source(%dma_start3A_4 : memref<4992x1024xf32, #tpu.memory_space<hbm>>) target(%arg9 : memref<64x1024xf32, #tpu.memory_space<vmem>>) offsets(%arg7 : memref<64xi32, #tpu.memory_space<vmem>>) semaphore(%arg10 : memref<!tpu.dma_semaphore, #tpu.memory_space<semaphore_mem>>) {add = true}
    %dma_wait3A = arith.constant 0 : i32
    %dma_wait3A_5 = arith.constant 0 : i32
    %dma_wait3A_6 = tpu.memref_slice %arg3[%dma_wait3A, %dma_wait3A_5] : memref<4992x1024xf32, #tpu.memory_space<hbm>> -> memref<4992x1024xf32, #tpu.memory_space<hbm>>
    tpu.wait_indirect_dma semaphore(%arg10 : memref<!tpu.dma_semaphore, #tpu.memory_space<semaphore_mem>>) src(%dma_wait3A_6 : memref<4992x1024xf32, #tpu.memory_space<hbm>>) dst(%arg9 : memref<64x1024xf32, #tpu.memory_space<vmem>>)
    %dma_start3A_7 = arith.constant 0 : i32
    %dma_start3A_8 = arith.constant 0 : i32
    %dma_start3A_9 = tpu.memref_slice %arg3[%dma_start3A_7, %dma_start3A_8] : memref<4992x1024xf32, #tpu.memory_space<hbm>> -> memref<4992x1024xf32, #tpu.memory_space<hbm>>
    tpu.enqueue_indirect_dma source(%dma_start3A_9 : memref<4992x1024xf32, #tpu.memory_space<hbm>>) target(%arg9 : memref<64x1024xf32, #tpu.memory_space<vmem>>) offsets(%arg8 : memref<64xi32, #tpu.memory_space<vmem>>) semaphore(%arg10 : memref<!tpu.dma_semaphore, #tpu.memory_space<semaphore_mem>>) {add = true}
    %dma_wait3A_10 = arith.constant 0 : i32
    %dma_wait3A_11 = arith.constant 0 : i32
    %dma_wait3A_12 = tpu.memref_slice %arg3[%dma_wait3A_10, %dma_wait3A_11] : memref<4992x1024xf32, #tpu.memory_space<hbm>> -> memref<4992x1024xf32, #tpu.memory_space<hbm>>
    tpu.wait_indirect_dma semaphore(%arg10 : memref<!tpu.dma_semaphore, #tpu.memory_space<semaphore_mem>>) src(%dma_wait3A_12 : memref<4992x1024xf32, #tpu.memory_space<hbm>>) dst(%arg9 : memref<64x1024xf32, #tpu.memory_space<vmem>>)
    "tpu.region"() ({
      %run_scoped3A = tpu.sem_alloc : memref<!tpu.dma_semaphore, #tpu.memory_space<semaphore_mem>>
      %dma_start3A_13 = arith.constant 0 : i32
      %dma_start3A_14 = tpu.memref_slice %arg6[%mul3A_2, %dma_start3A_13] : memref<2048x1024xf32, #tpu.memory_space<hbm>> -> memref<64x1024xf32, #tpu.memory_space<hbm>>
      %dma_start3A_15 = arith.constant 0 : i32
      %dma_start3A_16 = tpu.memref_slice %arg6[%mul3A_2, %dma_start3A_15] : memref<2048x1024xf32, #tpu.memory_space<hbm>> -> memref<64x1024xf32, #tpu.memory_space<hbm>>
      tpu.enqueue_dma source(%arg9 : memref<64x1024xf32, #tpu.memory_space<vmem>>) target(%dma_start3A_16 : memref<64x1024xf32, #tpu.memory_space<hbm>>) target_semaphore(%run_scoped3A : memref<!tpu.dma_semaphore, #tpu.memory_space<semaphore_mem>>)
      %dma_wait3A_17 = arith.constant 0 : i32
      %dma_wait3A_18 = tpu.memref_slice %arg6[%mul3A_2, %dma_wait3A_17] : memref<2048x1024xf32, #tpu.memory_space<hbm>> -> memref<64x1024xf32, #tpu.memory_space<hbm>>
      %dma_wait3A_19 = arith.constant 0 : i32
      %dma_wait3A_20 = tpu.memref_slice %arg6[%mul3A_2, %dma_wait3A_19] : memref<2048x1024xf32, #tpu.memory_space<hbm>> -> memref<64x1024xf32, #tpu.memory_space<hbm>>
      tpu.wait_dma2 semaphore(%run_scoped3A : memref<!tpu.dma_semaphore, #tpu.memory_space<semaphore_mem>>) src(%arg9 : memref<64x1024xf32, #tpu.memory_space<vmem>>) dst(%dma_wait3A_20 : memref<64x1024xf32, #tpu.memory_space<hbm>>)
      tpu.yield
    }) : () -> ()
    return
  }
}

module attributes {stable_mosaic.version = 14 : i64} {
  func.func @_k1_body(%arg0: i32, %arg1: memref<1024x1024xf32, #tpu.memory_space<vmem>>, %arg2: memref<8x1024xf32, #tpu.memory_space<vmem>>, %arg3: memref<1x1xf32, #tpu.memory_space<vmem>>, %arg4: memref<1024x1xi32, #tpu.memory_space<vmem>>, %arg5: memref<1024x1xi32, #tpu.memory_space<vmem>>, %arg6: memref<1024x1xf32, #tpu.memory_space<vmem>>, %arg7: memref<1024x1xf32, #tpu.memory_space<vmem>>, %arg8: memref<1024x1xf32, #tpu.memory_space<vmem>>, %arg9: memref<1024x1xf32, #tpu.memory_space<vmem>>, %arg10: memref<1x8xf32, #tpu.memory_space<vmem>>, %arg11: memref<2x8xf32, #tpu.memory_space<vmem>>, %arg12: memref<1x8xf32, #tpu.memory_space<vmem>>) attributes {dimension_semantics = [#tpu.dimension_semantics<arbitrary>], iteration_bounds = array<i64: 2>, scalar_prefetch = 0 : i64, scratch_operands = 2 : i64, tpu.core_type = #tpu.core_type<tc>, window_params = [{transform_indices = @transform_0, window_bounds = array<i64: 1024, 1024>}, {pipeline_mode = #tpu.pipeline_mode<synchronous>, transform_indices = @transform_1, window_bounds = array<i64: 8, 1024>}, {pipeline_mode = #tpu.pipeline_mode<synchronous>, transform_indices = @transform_2, window_bounds = array<i64: 1, 1>}, {transform_indices = @transform_3, window_bounds = array<i64: 1024, 1>}, {transform_indices = @transform_4, window_bounds = array<i64: 1024, 1>}, {transform_indices = @transform_5, window_bounds = array<i64: 1024, 1>}, {transform_indices = @transform_6, window_bounds = array<i64: 1024, 1>}, {transform_indices = @transform_7, window_bounds = array<i64: 1024, 1>}, {transform_indices = @transform_8, window_bounds = array<i64: 1024, 1>}, {pipeline_mode = #tpu.pipeline_mode<synchronous>, transform_indices = @transform_9, window_bounds = array<i64: 1, 8>}]} {
    %get3A = arith.constant 0 : index
    %get3A_0 = arith.constant 0 : index
    %get3A_1 = vector.load %arg1[%get3A, %get3A_0] : memref<1024x1024xf32, #tpu.memory_space<vmem>>, vector<1024x1024xf32>
    %get3A_2 = arith.constant 0 : index
    %get3A_3 = arith.constant 0 : index
    %get3A_4 = vector.load %arg2[%get3A_2, %get3A_3] : memref<8x1024xf32, #tpu.memory_space<vmem>>, vector<8x1024xf32>
    %dot_general3A = arith.constant dense<0.000000e+00> : vector<1024x8xf32>
    %dot_general3A_5 = tpu.matmul %get3A_1, %get3A_4, %dot_general3A {dimension_numbers = #tpu.dot_dimension_numbers<[1], [1], [0], [0], [0, 0, 1, 0], [], []>, transpose_lhs_hint = false} : vector<1024x1024xf32>, vector<8x1024xf32>, vector<1024x8xf32> -> vector<1024x8xf32>
    %mul3A = arith.constant 2.500000e+00 : f32
    %mul3A_6 = vector.broadcast %mul3A : f32 to vector<1024x8xf32>
    %mul3A_7 = arith.mulf %dot_general3A_5, %mul3A_6 : vector<1024x8xf32>
    %reduce_max3A = arith.constant dense<0xFF800000> : vector<1024xf32>
    %reduce_max3A_8 = vector.multi_reduction <maximumf>, %mul3A_7, %reduce_max3A [1] : vector<1024x8xf32> to vector<1024xf32>
    %broadcast_in_dim3A = vector.shape_cast %reduce_max3A_8 : vector<1024xf32> to vector<1024x1xf32>
    %sub3A = vector.broadcast %broadcast_in_dim3A : vector<1024x1xf32> to vector<1024x8xf32>
    %sub3A_9 = arith.subf %mul3A_7, %sub3A : vector<1024x8xf32>
    %exp3A = math.exp %sub3A_9 : vector<1024x8xf32>
    %reduce_sum3A = arith.constant dense<0.000000e+00> : vector<1024xf32>
    %reduce_sum3A_10 = vector.multi_reduction <add>, %exp3A, %reduce_sum3A [1] : vector<1024x8xf32> to vector<1024xf32>
    %broadcast_in_dim3A_11 = vector.shape_cast %reduce_sum3A_10 : vector<1024xf32> to vector<1024x1xf32>
    %div3A = vector.broadcast %broadcast_in_dim3A_11 : vector<1024x1xf32> to vector<1024x8xf32>
    %div3A_12 = arith.divf %exp3A, %div3A : vector<1024x8xf32>
    %iota3A = tpu.iota {dimensions = array<i32: 1>} : vector<1024x8xi32>
    %reduce_max3A_13 = arith.constant dense<0xFF800000> : vector<1024xf32>
    %reduce_max3A_14 = vector.multi_reduction <maximumf>, %div3A_12, %reduce_max3A_13 [1] : vector<1024x8xf32> to vector<1024xf32>
    %broadcast_in_dim3A_15 = vector.shape_cast %reduce_max3A_14 : vector<1024xf32> to vector<1024x1xf32>
    %eq3A = vector.broadcast %broadcast_in_dim3A_15 : vector<1024x1xf32> to vector<1024x8xf32>
    %eq3A_16 = arith.cmpf oeq, %div3A_12, %eq3A : vector<1024x8xf32>
    %jit3A = arith.constant 8 : i32
    %broadcast_in_dim3A_17 = vector.broadcast %jit3A : i32 to vector<1024x8xi32>
    %select_n3A = arith.select %eq3A_16, %iota3A, %broadcast_in_dim3A_17 : vector<1024x8xi1>, vector<1024x8xi32>
    %reduce_min3A = arith.constant dense<2147483647> : vector<1024xi32>
    %reduce_min3A_18 = vector.multi_reduction <minsi>, %select_n3A, %reduce_min3A [1] : vector<1024x8xi32> to vector<1024xi32>
    %broadcast_in_dim3A_19 = vector.shape_cast %reduce_min3A_18 : vector<1024xi32> to vector<1024x1xi32>
    %eq3A_20 = vector.broadcast %broadcast_in_dim3A_19 : vector<1024x1xi32> to vector<1024x8xi32>
    %eq3A_21 = arith.cmpi eq, %iota3A, %eq3A_20 : vector<1024x8xi32>
    %jit3A_22 = arith.constant 0xFF800000 : f32
    %broadcast_in_dim3A_23 = vector.broadcast %jit3A_22 : f32 to vector<1024x8xf32>
    %select_n3A_24 = arith.select %eq3A_21, %broadcast_in_dim3A_23, %div3A_12 : vector<1024x8xi1>, vector<1024x8xf32>
    %reduce_max3A_25 = arith.constant dense<0xFF800000> : vector<1024xf32>
    %reduce_max3A_26 = vector.multi_reduction <maximumf>, %select_n3A_24, %reduce_max3A_25 [1] : vector<1024x8xf32> to vector<1024xf32>
    %broadcast_in_dim3A_27 = vector.shape_cast %reduce_max3A_26 : vector<1024xf32> to vector<1024x1xf32>
    %eq3A_28 = vector.broadcast %broadcast_in_dim3A_27 : vector<1024x1xf32> to vector<1024x8xf32>
    %eq3A_29 = arith.cmpf oeq, %select_n3A_24, %eq3A_28 : vector<1024x8xf32>
    %jit3A_30 = arith.constant 8 : i32
    %broadcast_in_dim3A_31 = vector.broadcast %jit3A_30 : i32 to vector<1024x8xi32>
    %select_n3A_32 = arith.select %eq3A_29, %iota3A, %broadcast_in_dim3A_31 : vector<1024x8xi1>, vector<1024x8xi32>
    %reduce_min3A_33 = arith.constant dense<2147483647> : vector<1024xi32>
    %reduce_min3A_34 = vector.multi_reduction <minsi>, %select_n3A_32, %reduce_min3A_33 [1] : vector<1024x8xi32> to vector<1024xi32>
    %broadcast_in_dim3A_35 = vector.shape_cast %reduce_min3A_34 : vector<1024xi32> to vector<1024x1xi32>
    %add3A = arith.addf %broadcast_in_dim3A_15, %broadcast_in_dim3A_27 : vector<1024x1xf32>
    %swap3A = arith.constant 0 : index
    %swap3A_36 = arith.constant 0 : index
    %swap3A_37 = vector.load %arg4[%swap3A, %swap3A_36] : memref<1024x1xi32, #tpu.memory_space<vmem>>, vector<1024x1xi32>
    tpu.vector_store %arg4[%swap3A, %swap3A_36], %broadcast_in_dim3A_19 {strides = array<i32>} : memref<1024x1xi32, #tpu.memory_space<vmem>>, vector<1024x1xi32>,
    %swap3A_38 = arith.constant 0 : index
    %swap3A_39 = arith.constant 0 : index
    %swap3A_40 = vector.load %arg5[%swap3A_38, %swap3A_39] : memref<1024x1xi32, #tpu.memory_space<vmem>>, vector<1024x1xi32>
    tpu.vector_store %arg5[%swap3A_38, %swap3A_39], %broadcast_in_dim3A_35 {strides = array<i32>} : memref<1024x1xi32, #tpu.memory_space<vmem>>, vector<1024x1xi32>,
    %div3A_41 = arith.divf %broadcast_in_dim3A_15, %add3A : vector<1024x1xf32>
    %swap3A_42 = arith.constant 0 : index
    %swap3A_43 = arith.constant 0 : index
    %swap3A_44 = vector.load %arg6[%swap3A_42, %swap3A_43] : memref<1024x1xf32, #tpu.memory_space<vmem>>, vector<1024x1xf32>
    tpu.vector_store %arg6[%swap3A_42, %swap3A_43], %div3A_41 {strides = array<i32>} : memref<1024x1xf32, #tpu.memory_space<vmem>>, vector<1024x1xf32>,
    %div3A_45 = arith.divf %broadcast_in_dim3A_27, %add3A : vector<1024x1xf32>
    %swap3A_46 = arith.constant 0 : index
    %swap3A_47 = arith.constant 0 : index
    %swap3A_48 = vector.load %arg7[%swap3A_46, %swap3A_47] : memref<1024x1xf32, #tpu.memory_space<vmem>>, vector<1024x1xf32>
    tpu.vector_store %arg7[%swap3A_46, %swap3A_47], %div3A_45 {strides = array<i32>} : memref<1024x1xf32, #tpu.memory_space<vmem>>, vector<1024x1xf32>,
    %eq3A_49 = vector.broadcast %broadcast_in_dim3A_19 : vector<1024x1xi32> to vector<1024x8xi32>
    %eq3A_50 = arith.cmpi eq, %iota3A, %eq3A_49 : vector<1024x8xi32>
    %eq3A_51 = vector.broadcast %broadcast_in_dim3A_35 : vector<1024x1xi32> to vector<1024x8xi32>
    %eq3A_52 = arith.cmpi eq, %iota3A, %eq3A_51 : vector<1024x8xi32>
    %or3A = arith.ori %eq3A_50, %eq3A_52 : vector<1024x8xi1>
    %convert_element_type3A = arith.extui %or3A : vector<1024x8xi1> to vector<1024x8xi32>
    %convert_element_type3A_53 = arith.sitofp %convert_element_type3A : vector<1024x8xi32> to vector<1024x8xf32>
    %convert_element_type3A_54 = arith.truncf %convert_element_type3A_53 : vector<1024x8xf32> to vector<1024x8xbf16>
    %eq3A_55 = arith.constant 0 : i32
    %eq3A_56 = arith.cmpi eq, %arg0, %eq3A_55 : i32
    %convert_element_type3A_57 = arith.extui %eq3A_56 : i1 to i32
    %cond3A = arith.constant 0 : i32
    %cond3A_58 = arith.cmpi ne, %convert_element_type3A_57, %cond3A : i32
    scf.if %cond3A_58 {
      %broadcast_in_dim3A_146 = arith.constant 0.000000e+00 : f32
      %broadcast_in_dim3A_147 = vector.broadcast %broadcast_in_dim3A_146 : f32 to vector<2x8xf32>
      %swap3A_148 = arith.constant 0 : index
      %swap3A_149 = arith.constant 0 : index
      %swap3A_150 = vector.load %arg11[%swap3A_148, %swap3A_149] : memref<2x8xf32, #tpu.memory_space<vmem>>, vector<2x8xf32>
      tpu.vector_store %arg11[%swap3A_148, %swap3A_149], %broadcast_in_dim3A_147 {strides = array<i32>} : memref<2x8xf32, #tpu.memory_space<vmem>>, vector<2x8xf32>,
      %broadcast_in_dim3A_151 = arith.constant 0.000000e+00 : f32
      %broadcast_in_dim3A_152 = vector.broadcast %broadcast_in_dim3A_151 : f32 to vector<1x8xf32>
      %swap3A_153 = arith.constant 0 : index
      %swap3A_154 = arith.constant 0 : index
      %swap3A_155 = vector.load %arg12[%swap3A_153, %swap3A_154] : memref<1x8xf32, #tpu.memory_space<vmem>>, vector<1x8xf32>
      tpu.vector_store %arg12[%swap3A_153, %swap3A_154], %broadcast_in_dim3A_152 {strides = array<i32>} : memref<1x8xf32, #tpu.memory_space<vmem>>, vector<1x8xf32>,
    } else {
    }
    %iota3A_59 = tpu.iota {dimensions = array<i32: 0>} : vector<1024x1024xi32>
    %iota3A_60 = tpu.iota {dimensions = array<i32: 1>} : vector<1024x1024xi32>
    %lt3A = arith.cmpi slt, %iota3A_60, %iota3A_59 : vector<1024x1024xi32>
    %convert_element_type3A_61 = arith.extui %lt3A : vector<1024x1024xi1> to vector<1024x1024xi32>
    %convert_element_type3A_62 = arith.sitofp %convert_element_type3A_61 : vector<1024x1024xi32> to vector<1024x1024xf32>
    %convert_element_type3A_63 = arith.truncf %convert_element_type3A_62 : vector<1024x1024xf32> to vector<1024x1024xbf16>
    %dot_general3A_64 = arith.constant dense<0.000000e+00> : vector<1024x8xf32>
    %dot_general3A_65 = tpu.matmul %convert_element_type3A_63, %convert_element_type3A_54, %dot_general3A_64 {dimension_numbers = #tpu.dot_dimension_numbers<[1], [0], [0], [1], [0, 0, 1, 1], [], []>, transpose_lhs_hint = false} : vector<1024x1024xbf16>, vector<1024x8xbf16>, vector<1024x8xf32> -> vector<1024x8xf32>
    %get3A_66 = arith.constant 0 : index
    %get3A_67 = arith.constant 0 : index
    %get3A_68 = vector.load %arg12[%get3A_66, %get3A_67] : memref<1x8xf32, #tpu.memory_space<vmem>>, vector<1x8xf32>
    %add3A_69 = vector.broadcast %get3A_68 : vector<1x8xf32> to vector<1024x8xf32>
    %add3A_70 = arith.addf %dot_general3A_65, %add3A_69 : vector<1024x8xf32>
    %eq3A_71 = vector.broadcast %broadcast_in_dim3A_19 : vector<1024x1xi32> to vector<1024x8xi32>
    %eq3A_72 = arith.cmpi eq, %iota3A, %eq3A_71 : vector<1024x8xi32>
    %jit3A_73 = arith.constant 0.000000e+00 : f32
    %broadcast_in_dim3A_74 = vector.broadcast %jit3A_73 : f32 to vector<1024x8xf32>
    %select_n3A_75 = arith.select %eq3A_72, %add3A_70, %broadcast_in_dim3A_74 : vector<1024x8xi1>, vector<1024x8xf32>
    %reduce_sum3A_76 = arith.constant dense<0.000000e+00> : vector<1024xf32>
    %reduce_sum3A_77 = vector.multi_reduction <add>, %select_n3A_75, %reduce_sum3A_76 [1] : vector<1024x8xf32> to vector<1024xf32>
    %broadcast_in_dim3A_78 = vector.shape_cast %reduce_sum3A_77 : vector<1024xf32> to vector<1024x1xf32>
    %swap3A_79 = arith.constant 0 : index
    %swap3A_80 = arith.constant 0 : index
    %swap3A_81 = vector.load %arg8[%swap3A_79, %swap3A_80] : memref<1024x1xf32, #tpu.memory_space<vmem>>, vector<1024x1xf32>
    tpu.vector_store %arg8[%swap3A_79, %swap3A_80], %broadcast_in_dim3A_78 {strides = array<i32>} : memref<1024x1xf32, #tpu.memory_space<vmem>>, vector<1024x1xf32>,
    %eq3A_82 = vector.broadcast %broadcast_in_dim3A_35 : vector<1024x1xi32> to vector<1024x8xi32>
    %eq3A_83 = arith.cmpi eq, %iota3A, %eq3A_82 : vector<1024x8xi32>
    %jit3A_84 = arith.constant 0.000000e+00 : f32
    %broadcast_in_dim3A_85 = vector.broadcast %jit3A_84 : f32 to vector<1024x8xf32>
    %select_n3A_86 = arith.select %eq3A_83, %add3A_70, %broadcast_in_dim3A_85 : vector<1024x8xi1>, vector<1024x8xf32>
    %reduce_sum3A_87 = arith.constant dense<0.000000e+00> : vector<1024xf32>
    %reduce_sum3A_88 = vector.multi_reduction <add>, %select_n3A_86, %reduce_sum3A_87 [1] : vector<1024x8xf32> to vector<1024xf32>
    %broadcast_in_dim3A_89 = vector.shape_cast %reduce_sum3A_88 : vector<1024xf32> to vector<1024x1xf32>
    %swap3A_90 = arith.constant 0 : index
    %swap3A_91 = arith.constant 0 : index
    %swap3A_92 = vector.load %arg9[%swap3A_90, %swap3A_91] : memref<1024x1xf32, #tpu.memory_space<vmem>>, vector<1024x1xf32>
    tpu.vector_store %arg9[%swap3A_90, %swap3A_91], %broadcast_in_dim3A_89 {strides = array<i32>} : memref<1024x1xf32, #tpu.memory_space<vmem>>, vector<1024x1xf32>,
    %convert_element_type3A_93 = arith.extf %convert_element_type3A_54 : vector<1024x8xbf16> to vector<1024x8xf32>
    %get3A_94 = arith.constant 0 : index
    %get3A_95 = arith.constant 0 : index
    %get3A_96 = vector.load %arg12[%get3A_94, %get3A_95] : memref<1x8xf32, #tpu.memory_space<vmem>>, vector<1x8xf32>
    %reduce_sum3A_97 = arith.constant dense<0.000000e+00> : vector<8xf32>
    %reduce_sum3A_98 = vector.multi_reduction <add>, %convert_element_type3A_93, %reduce_sum3A_97 [0] : vector<1024x8xf32> to vector<8xf32>
    %broadcast_in_dim3A_99 = vector.shape_cast %reduce_sum3A_98 : vector<8xf32> to vector<1x8xf32>
    %add3A_100 = arith.addf %get3A_96, %broadcast_in_dim3A_99 : vector<1x8xf32>
    %swap3A_101 = arith.constant 0 : index
    %swap3A_102 = arith.constant 0 : index
    %swap3A_103 = vector.load %arg12[%swap3A_101, %swap3A_102] : memref<1x8xf32, #tpu.memory_space<vmem>>, vector<1x8xf32>
    tpu.vector_store %arg12[%swap3A_101, %swap3A_102], %add3A_100 {strides = array<i32>} : memref<1x8xf32, #tpu.memory_space<vmem>>, vector<1x8xf32>,
    %get3A_104 = arith.constant 0 : index
    %get3A_105 = arith.constant 0 : index
    %get3A_106 = vector.load %arg12[%get3A_104, %get3A_105] : memref<1x8xf32, #tpu.memory_space<vmem>>, vector<1x8xf32>
    %swap3A_107 = arith.constant 0 : index
    %swap3A_108 = arith.constant 0 : index
    %swap3A_109 = vector.load %arg10[%swap3A_107, %swap3A_108] : memref<1x8xf32, #tpu.memory_space<vmem>>, vector<1x8xf32>
    tpu.vector_store %arg10[%swap3A_107, %swap3A_108], %get3A_106 {strides = array<i32>} : memref<1x8xf32, #tpu.memory_space<vmem>>, vector<1x8xf32>,
    %get3A_110 = arith.constant 0 : index
    %get3A_111 = arith.constant 0 : index
    %get3A_112 = vector.load %arg11[%get3A_110, %get3A_111] : memref<2x8xf32, #tpu.memory_space<vmem>>, vector<1x8xf32>
    %reduce_sum3A_113 = arith.constant dense<0.000000e+00> : vector<8xf32>
    %reduce_sum3A_114 = vector.multi_reduction <add>, %convert_element_type3A_93, %reduce_sum3A_113 [0] : vector<1024x8xf32> to vector<8xf32>
    %broadcast_in_dim3A_115 = vector.shape_cast %reduce_sum3A_114 : vector<8xf32> to vector<1x8xf32>
    %add3A_116 = arith.addf %get3A_112, %broadcast_in_dim3A_115 : vector<1x8xf32>
    %swap3A_117 = arith.constant 0 : index
    %swap3A_118 = arith.constant 0 : index
    %swap3A_119 = vector.load %arg11[%swap3A_117, %swap3A_118] : memref<2x8xf32, #tpu.memory_space<vmem>>, vector<1x8xf32>
    tpu.vector_store %arg11[%swap3A_117, %swap3A_118], %add3A_116 {strides = array<i32>} : memref<2x8xf32, #tpu.memory_space<vmem>>, vector<1x8xf32>,
    %get3A_120 = arith.constant 1 : index
    %get3A_121 = arith.constant 0 : index
    %get3A_122 = vector.load %arg11[%get3A_120, %get3A_121] : memref<2x8xf32, #tpu.memory_space<vmem>>, vector<1x8xf32>
    %reduce_sum3A_123 = arith.constant dense<0.000000e+00> : vector<8xf32>
    %reduce_sum3A_124 = vector.multi_reduction <add>, %div3A_12, %reduce_sum3A_123 [0] : vector<1024x8xf32> to vector<8xf32>
    %broadcast_in_dim3A_125 = vector.shape_cast %reduce_sum3A_124 : vector<8xf32> to vector<1x8xf32>
    %add3A_126 = arith.addf %get3A_122, %broadcast_in_dim3A_125 : vector<1x8xf32>
    %swap3A_127 = arith.constant 1 : index
    %swap3A_128 = arith.constant 0 : index
    %swap3A_129 = vector.load %arg11[%swap3A_127, %swap3A_128] : memref<2x8xf32, #tpu.memory_space<vmem>>, vector<1x8xf32>
    tpu.vector_store %arg11[%swap3A_127, %swap3A_128], %add3A_126 {strides = array<i32>} : memref<2x8xf32, #tpu.memory_space<vmem>>, vector<1x8xf32>,
    %get3A_130 = arith.constant 0 : index
    %get3A_131 = arith.constant 0 : index
    %get3A_132 = vector.load %arg11[%get3A_130, %get3A_131] : memref<2x8xf32, #tpu.memory_space<vmem>>, vector<1x8xf32>
    %get3A_133 = arith.constant 1 : index
    %get3A_134 = arith.constant 0 : index
    %get3A_135 = vector.load %arg11[%get3A_133, %get3A_134] : memref<2x8xf32, #tpu.memory_space<vmem>>, vector<1x8xf32>
    %mul3A_136 = arith.mulf %get3A_132, %get3A_135 : vector<1x8xf32>
    %reduce_sum3A_137 = arith.constant dense<0.000000e+00> : vector<1xf32>
    %reduce_sum3A_138 = vector.multi_reduction <add>, %mul3A_136, %reduce_sum3A_137 [1] : vector<1x8xf32> to vector<1xf32>
    %broadcast_in_dim3A_139 = vector.shape_cast %reduce_sum3A_138 : vector<1xf32> to vector<1x1xf32>
    %mul3A_140 = arith.constant 1.90734863E-6 : f32
    %mul3A_141 = vector.broadcast %mul3A_140 : f32 to vector<1x1xf32>
    %mul3A_142 = arith.mulf %mul3A_141, %broadcast_in_dim3A_139 : vector<1x1xf32>
    %swap3A_143 = arith.constant 0 : index
    %swap3A_144 = arith.constant 0 : index
    %swap3A_145 = vector.load %arg3[%swap3A_143, %swap3A_144] : memref<1x1xf32, #tpu.memory_space<vmem>>, vector<1x1xf32>
    tpu.vector_store %arg3[%swap3A_143, %swap3A_144], %mul3A_142 {strides = array<i32>} : memref<1x1xf32, #tpu.memory_space<vmem>>, vector<1x1xf32>,
    return
  }
  func.func @transform_0(%arg0: i32) -> (i32, i32) {
    %c0_i32 = arith.constant 0 : i32
    %c0_i32_0 = arith.constant 0 : i32
    return %arg0, %c0_i32 : i32, i32
  }
  func.func @transform_1(%arg0: i32) -> (i32, i32) {
    %c0_i32 = arith.constant 0 : i32
    %c0_i32_0 = arith.constant 0 : i32
    %c0_i32_1 = arith.constant 0 : i32
    return %c0_i32, %c0_i32_0 : i32, i32
  }
  func.func @transform_2(%arg0: i32) -> (i32, i32) {
    %c0_i32 = arith.constant 0 : i32
    %c0_i32_0 = arith.constant 0 : i32
    %c0_i32_1 = arith.constant 0 : i32
    return %c0_i32, %c0_i32_0 : i32, i32
  }
  func.func @transform_3(%arg0: i32) -> (i32, i32) {
    %c0_i32 = arith.constant 0 : i32
    %c0_i32_0 = arith.constant 0 : i32
    return %arg0, %c0_i32 : i32, i32
  }
  func.func @transform_4(%arg0: i32) -> (i32, i32) {
    %c0_i32 = arith.constant 0 : i32
    %c0_i32_0 = arith.constant 0 : i32
    return %arg0, %c0_i32 : i32, i32
  }
  func.func @transform_5(%arg0: i32) -> (i32, i32) {
    %c0_i32 = arith.constant 0 : i32
    %c0_i32_0 = arith.constant 0 : i32
    return %arg0, %c0_i32 : i32, i32
  }
  func.func @transform_6(%arg0: i32) -> (i32, i32) {
    %c0_i32 = arith.constant 0 : i32
    %c0_i32_0 = arith.constant 0 : i32
    return %arg0, %c0_i32 : i32, i32
  }
  func.func @transform_7(%arg0: i32) -> (i32, i32) {
    %c0_i32 = arith.constant 0 : i32
    %c0_i32_0 = arith.constant 0 : i32
    return %arg0, %c0_i32 : i32, i32
  }
  func.func @transform_8(%arg0: i32) -> (i32, i32) {
    %c0_i32 = arith.constant 0 : i32
    %c0_i32_0 = arith.constant 0 : i32
    return %arg0, %c0_i32 : i32, i32
  }
  func.func @transform_9(%arg0: i32) -> (i32, i32) {
    %c0_i32 = arith.constant 0 : i32
    %c0_i32_0 = arith.constant 0 : i32
    %c0_i32_1 = arith.constant 0 : i32
    return %c0_i32, %c0_i32_0 : i32, i32
  }
}

module attributes {stable_mosaic.version = 14 : i64} {
  func.func @_kS_body(%arg0: i32, %arg1: memref<1024x1024xf32, #tpu.memory_space<vmem>>, %arg2: memref<1x512x1024xbf16, #tpu.memory_space<vmem>>, %arg3: memref<1x512x1024xbf16, #tpu.memory_space<vmem>>, %arg4: memref<1x1024x512xbf16, #tpu.memory_space<vmem>>, %arg5: memref<1024x1024xf32, #tpu.memory_space<vmem>>) attributes {dimension_semantics = [#tpu.dimension_semantics<arbitrary>], iteration_bounds = array<i64: 2>, scalar_prefetch = 0 : i64, scratch_operands = 0 : i64, tpu.core_type = #tpu.core_type<tc>, window_params = [{transform_indices = @transform_0, window_bounds = array<i64: 1024, 1024>}, {pipeline_mode = #tpu.pipeline_mode<synchronous>, transform_indices = @transform_1, window_bounds = array<i64: 1, 512, 1024>}, {pipeline_mode = #tpu.pipeline_mode<synchronous>, transform_indices = @transform_2, window_bounds = array<i64: 1, 512, 1024>}, {pipeline_mode = #tpu.pipeline_mode<synchronous>, transform_indices = @transform_3, window_bounds = array<i64: 1, 1024, 512>}, {transform_indices = @transform_4, window_bounds = array<i64: 1024, 1024>}]} {
    %get3A = arith.constant 0 : index
    %get3A_0 = arith.constant 0 : index
    %get3A_1 = vector.load %arg1[%get3A, %get3A_0] : memref<1024x1024xf32, #tpu.memory_space<vmem>>, vector<1024x1024xf32>
    %convert_element_type3A = arith.truncf %get3A_1 : vector<1024x1024xf32> to vector<1024x1024xbf16>
    %get3A_2 = arith.constant 0 : index
    %get3A_3 = arith.constant 0 : index
    %get3A_4 = arith.constant 0 : index
    %get3A_5 = vector.load %arg2[%get3A_2, %get3A_3, %get3A_4] : memref<1x512x1024xbf16, #tpu.memory_space<vmem>>, vector<1x512x1024xbf16>
    %get3A_6 = vector.shape_cast %get3A_5 : vector<1x512x1024xbf16> to vector<512x1024xbf16>
    %dot_general3A = arith.constant dense<0.000000e+00> : vector<1024x512xf32>
    %dot_general3A_7 = tpu.matmul %convert_element_type3A, %get3A_6, %dot_general3A {dimension_numbers = #tpu.dot_dimension_numbers<[1], [1], [0], [0], [0, 0, 1, 0], [], []>, transpose_lhs_hint = false} : vector<1024x1024xbf16>, vector<512x1024xbf16>, vector<1024x512xf32> -> vector<1024x512xf32>
    %get3A_8 = arith.constant 0 : index
    %get3A_9 = arith.constant 0 : index
    %get3A_10 = arith.constant 0 : index
    %get3A_11 = vector.load %arg3[%get3A_8, %get3A_9, %get3A_10] : memref<1x512x1024xbf16, #tpu.memory_space<vmem>>, vector<1x512x1024xbf16>
    %get3A_12 = vector.shape_cast %get3A_11 : vector<1x512x1024xbf16> to vector<512x1024xbf16>
    %dot_general3A_13 = arith.constant dense<0.000000e+00> : vector<1024x512xf32>
    %dot_general3A_14 = tpu.matmul %convert_element_type3A, %get3A_12, %dot_general3A_13 {dimension_numbers = #tpu.dot_dimension_numbers<[1], [1], [0], [0], [0, 0, 1, 0], [], []>, transpose_lhs_hint = false} : vector<1024x1024xbf16>, vector<512x1024xbf16>, vector<1024x512xf32> -> vector<1024x512xf32>
    %neg3A = arith.constant 0.000000e+00 : f32
    %neg3A_15 = vector.broadcast %neg3A : f32 to vector<1024x512xf32>
    %neg3A_16 = arith.subf %neg3A_15, %dot_general3A_7 : vector<1024x512xf32>
    %exp3A = math.exp %neg3A_16 : vector<1024x512xf32>
    %add3A = arith.constant 1.000000e+00 : f32
    %add3A_17 = vector.broadcast %add3A : f32 to vector<1024x512xf32>
    %add3A_18 = arith.addf %add3A_17, %exp3A : vector<1024x512xf32>
    %div3A = arith.constant 1.000000e+00 : f32
    %div3A_19 = vector.broadcast %div3A : f32 to vector<1024x512xf32>
    %div3A_20 = arith.divf %div3A_19, %add3A_18 : vector<1024x512xf32>
    %mul3A = arith.mulf %dot_general3A_7, %div3A_20 : vector<1024x512xf32>
    %mul3A_21 = arith.mulf %mul3A, %dot_general3A_14 : vector<1024x512xf32>
    %convert_element_type3A_22 = arith.truncf %mul3A_21 : vector<1024x512xf32> to vector<1024x512xbf16>
    %get3A_23 = arith.constant 0 : index
    %get3A_24 = arith.constant 0 : index
    %get3A_25 = arith.constant 0 : index
    %get3A_26 = vector.load %arg4[%get3A_23, %get3A_24, %get3A_25] : memref<1x1024x512xbf16, #tpu.memory_space<vmem>>, vector<1x1024x512xbf16>
    %get3A_27 = vector.shape_cast %get3A_26 : vector<1x1024x512xbf16> to vector<1024x512xbf16>
    %dot_general3A_28 = arith.constant dense<0.000000e+00> : vector<1024x1024xf32>
    %dot_general3A_29 = tpu.matmul %convert_element_type3A_22, %get3A_27, %dot_general3A_28 {dimension_numbers = #tpu.dot_dimension_numbers<[1], [1], [0], [0], [0, 0, 1, 0], [], []>, transpose_lhs_hint = false} : vector<1024x512xbf16>, vector<1024x512xbf16>, vector<1024x1024xf32> -> vector<1024x1024xf32>
    %swap3A = arith.constant 0 : index
    %swap3A_30 = arith.constant 0 : index
    %swap3A_31 = vector.load %arg5[%swap3A, %swap3A_30] : memref<1024x1024xf32, #tpu.memory_space<vmem>>, vector<1024x1024xf32>
    tpu.vector_store %arg5[%swap3A, %swap3A_30], %dot_general3A_29 {strides = array<i32>} : memref<1024x1024xf32, #tpu.memory_space<vmem>>, vector<1024x1024xf32>,
    return
  }
  func.func @transform_0(%arg0: i32) -> (i32, i32) {
    %c0_i32 = arith.constant 0 : i32
    %c0_i32_0 = arith.constant 0 : i32
    return %arg0, %c0_i32 : i32, i32
  }
  func.func @transform_1(%arg0: i32) -> (i32, i32, i32) {
    %c0_i32 = arith.constant 0 : i32
    %c0_i32_0 = arith.constant 0 : i32
    %c0_i32_1 = arith.constant 0 : i32
    %c0_i32_2 = arith.constant 0 : i32
    return %c0_i32, %c0_i32_0, %c0_i32_1 : i32, i32, i32
  }
  func.func @transform_2(%arg0: i32) -> (i32, i32, i32) {
    %c0_i32 = arith.constant 0 : i32
    %c0_i32_0 = arith.constant 0 : i32
    %c0_i32_1 = arith.constant 0 : i32
    %c0_i32_2 = arith.constant 0 : i32
    return %c0_i32, %c0_i32_0, %c0_i32_1 : i32, i32, i32
  }
  func.func @transform_3(%arg0: i32) -> (i32, i32, i32) {
    %c0_i32 = arith.constant 0 : i32
    %c0_i32_0 = arith.constant 0 : i32
    %c0_i32_1 = arith.constant 0 : i32
    %c0_i32_2 = arith.constant 0 : i32
    return %c0_i32, %c0_i32_0, %c0_i32_1 : i32, i32, i32
  }
  func.func @transform_4(%arg0: i32) -> (i32, i32) {
    %c0_i32 = arith.constant 0 : i32
    %c0_i32_0 = arith.constant 0 : i32
    return %arg0, %c0_i32 : i32, i32
  }
}

module attributes {stable_mosaic.version = 14 : i64} {
  func.func @_k3_body(%arg0: i32, %arg1: memref<48xi32, #tpu.memory_space<smem>>, %arg2: memref<128x1024xf32, #tpu.memory_space<vmem>>, %arg3: memref<128x1xf32, #tpu.memory_space<vmem>>, %arg4: memref<1x512x1024xbf16, #tpu.memory_space<vmem>>, %arg5: memref<1x512x1024xbf16, #tpu.memory_space<vmem>>, %arg6: memref<1x1024x512xbf16, #tpu.memory_space<vmem>>, %arg7: memref<128x1024xf32, #tpu.memory_space<vmem>>) attributes {dimension_semantics = [#tpu.dimension_semantics<arbitrary>], iteration_bounds = array<i64: 39>, scalar_prefetch = 1 : i64, scratch_operands = 0 : i64, tpu.core_type = #tpu.core_type<tc>, window_params = [{transform_indices = @transform_0, window_bounds = array<i64: 128, 1024>}, {transform_indices = @transform_1, window_bounds = array<i64: 128, 1>}, {transform_indices = @transform_2, window_bounds = array<i64: 1, 512, 1024>}, {transform_indices = @transform_3, window_bounds = array<i64: 1, 512, 1024>}, {transform_indices = @transform_4, window_bounds = array<i64: 1, 1024, 512>}, {transform_indices = @transform_5, window_bounds = array<i64: 128, 1024>}]} {
    %get3A = arith.constant 0 : index
    %get3A_0 = arith.constant 0 : index
    %get3A_1 = vector.load %arg2[%get3A, %get3A_0] : memref<128x1024xf32, #tpu.memory_space<vmem>>, vector<128x1024xf32>
    %convert_element_type3A = arith.truncf %get3A_1 : vector<128x1024xf32> to vector<128x1024xbf16>
    %get3A_2 = arith.constant 0 : index
    %get3A_3 = arith.constant 0 : index
    %get3A_4 = arith.constant 0 : index
    %get3A_5 = vector.load %arg4[%get3A_2, %get3A_3, %get3A_4] : memref<1x512x1024xbf16, #tpu.memory_space<vmem>>, vector<1x512x1024xbf16>
    %get3A_6 = vector.shape_cast %get3A_5 : vector<1x512x1024xbf16> to vector<512x1024xbf16>
    %dot_general3A = arith.constant dense<0.000000e+00> : vector<128x512xf32>
    %dot_general3A_7 = tpu.matmul %convert_element_type3A, %get3A_6, %dot_general3A {dimension_numbers = #tpu.dot_dimension_numbers<[1], [1], [0], [0], [0, 0, 1, 0], [], []>, transpose_lhs_hint = false} : vector<128x1024xbf16>, vector<512x1024xbf16>, vector<128x512xf32> -> vector<128x512xf32>
    %get3A_8 = arith.constant 0 : index
    %get3A_9 = arith.constant 0 : index
    %get3A_10 = arith.constant 0 : index
    %get3A_11 = vector.load %arg5[%get3A_8, %get3A_9, %get3A_10] : memref<1x512x1024xbf16, #tpu.memory_space<vmem>>, vector<1x512x1024xbf16>
    %get3A_12 = vector.shape_cast %get3A_11 : vector<1x512x1024xbf16> to vector<512x1024xbf16>
    %dot_general3A_13 = arith.constant dense<0.000000e+00> : vector<128x512xf32>
    %dot_general3A_14 = tpu.matmul %convert_element_type3A, %get3A_12, %dot_general3A_13 {dimension_numbers = #tpu.dot_dimension_numbers<[1], [1], [0], [0], [0, 0, 1, 0], [], []>, transpose_lhs_hint = false} : vector<128x1024xbf16>, vector<512x1024xbf16>, vector<128x512xf32> -> vector<128x512xf32>
    %neg3A = arith.constant 0.000000e+00 : f32
    %neg3A_15 = vector.broadcast %neg3A : f32 to vector<128x512xf32>
    %neg3A_16 = arith.subf %neg3A_15, %dot_general3A_7 : vector<128x512xf32>
    %exp3A = math.exp %neg3A_16 : vector<128x512xf32>
    %add3A = arith.constant 1.000000e+00 : f32
    %add3A_17 = vector.broadcast %add3A : f32 to vector<128x512xf32>
    %add3A_18 = arith.addf %add3A_17, %exp3A : vector<128x512xf32>
    %div3A = arith.constant 1.000000e+00 : f32
    %div3A_19 = vector.broadcast %div3A : f32 to vector<128x512xf32>
    %div3A_20 = arith.divf %div3A_19, %add3A_18 : vector<128x512xf32>
    %mul3A = arith.mulf %dot_general3A_7, %div3A_20 : vector<128x512xf32>
    %mul3A_21 = arith.mulf %mul3A, %dot_general3A_14 : vector<128x512xf32>
    %convert_element_type3A_22 = arith.truncf %mul3A_21 : vector<128x512xf32> to vector<128x512xbf16>
    %get3A_23 = arith.constant 0 : index
    %get3A_24 = arith.constant 0 : index
    %get3A_25 = arith.constant 0 : index
    %get3A_26 = vector.load %arg6[%get3A_23, %get3A_24, %get3A_25] : memref<1x1024x512xbf16, #tpu.memory_space<vmem>>, vector<1x1024x512xbf16>
    %get3A_27 = vector.shape_cast %get3A_26 : vector<1x1024x512xbf16> to vector<1024x512xbf16>
    %dot_general3A_28 = arith.constant dense<0.000000e+00> : vector<128x1024xf32>
    %dot_general3A_29 = tpu.matmul %convert_element_type3A_22, %get3A_27, %dot_general3A_28 {dimension_numbers = #tpu.dot_dimension_numbers<[1], [1], [0], [0], [0, 0, 1, 0], [], []>, transpose_lhs_hint = false} : vector<128x512xbf16>, vector<1024x512xbf16>, vector<128x1024xf32> -> vector<128x1024xf32>
    %get3A_30 = arith.constant 0 : index
    %get3A_31 = arith.constant 0 : index
    %get3A_32 = vector.load %arg3[%get3A_30, %get3A_31] : memref<128x1xf32, #tpu.memory_space<vmem>>, vector<128x1xf32>
    %mul3A_33 = vector.broadcast %get3A_32 : vector<128x1xf32> to vector<128x1024xf32>
    %mul3A_34 = arith.mulf %mul3A_33, %dot_general3A_29 : vector<128x1024xf32>
    %swap3A = arith.constant 0 : index
    %swap3A_35 = arith.constant 0 : index
    %swap3A_36 = vector.load %arg7[%swap3A, %swap3A_35] : memref<128x1024xf32, #tpu.memory_space<vmem>>, vector<128x1024xf32>
    tpu.vector_store %arg7[%swap3A, %swap3A_35], %mul3A_34 {strides = array<i32>} : memref<128x1024xf32, #tpu.memory_space<vmem>>, vector<128x1024xf32>,
    return
  }
  func.func @transform_0(%arg0: i32, %arg1: memref<48xi32, #tpu.memory_space<smem>>) -> (i32, i32) {
    %c0_i32 = arith.constant 0 : i32
    %c0_i32_0 = arith.constant 0 : i32
    return %arg0, %c0_i32 : i32, i32
  }
  func.func @transform_1(%arg0: i32, %arg1: memref<48xi32, #tpu.memory_space<smem>>) -> (i32, i32) {
    %c0_i32 = arith.constant 0 : i32
    %c0_i32_0 = arith.constant 0 : i32
    return %arg0, %c0_i32 : i32, i32
  }
  func.func @transform_2(%arg0: i32, %arg1: memref<48xi32, #tpu.memory_space<smem>>) -> (i32, i32, i32) {
    %get3A = arith.index_cast %arg0 : i32 to index
    %get3A_0 = memref.load %arg1[%get3A] : memref<48xi32, #tpu.memory_space<smem>>
    %c0_i32 = arith.constant 0 : i32
    %c0_i32_1 = arith.constant 0 : i32
    %c0_i32_2 = arith.constant 0 : i32
    return %get3A_0, %c0_i32, %c0_i32_1 : i32, i32, i32
  }
  func.func @transform_3(%arg0: i32, %arg1: memref<48xi32, #tpu.memory_space<smem>>) -> (i32, i32, i32) {
    %get3A = arith.index_cast %arg0 : i32 to index
    %get3A_0 = memref.load %arg1[%get3A] : memref<48xi32, #tpu.memory_space<smem>>
    %c0_i32 = arith.constant 0 : i32
    %c0_i32_1 = arith.constant 0 : i32
    %c0_i32_2 = arith.constant 0 : i32
    return %get3A_0, %c0_i32, %c0_i32_1 : i32, i32, i32
  }
  func.func @transform_4(%arg0: i32, %arg1: memref<48xi32, #tpu.memory_space<smem>>) -> (i32, i32, i32) {
    %get3A = arith.index_cast %arg0 : i32 to index
    %get3A_0 = memref.load %arg1[%get3A] : memref<48xi32, #tpu.memory_space<smem>>
    %c0_i32 = arith.constant 0 : i32
    %c0_i32_1 = arith.constant 0 : i32
    %c0_i32_2 = arith.constant 0 : i32
    return %get3A_0, %c0_i32, %c0_i32_1 : i32, i32, i32
  }
  func.func @transform_5(%arg0: i32, %arg1: memref<48xi32, #tpu.memory_space<smem>>) -> (i32, i32) {
    %c0_i32 = arith.constant 0 : i32
    %c0_i32_0 = arith.constant 0 : i32
    return %arg0, %c0_i32 : i32, i32
  }
}

</mosaic_0001>

<sc_bundles>
// kernel: kernel.10.cloned.1.call-start
scs
__scs_entry_jumppad:
0x0: {  	(pc) =	sbr.rel $0x88, $3  }
0x1: {  	(tag) =	ssettag $0x0;
	lr =	simm.s32 $0x1  }
0x2: {  	[smem:$0x3F99] =	sst lr;
	_ =	strace $0xD0000000  }
0x3: {  	_ = 	snop  }
0x4: {  	_ = 	snop  }
0x5: {  	_ = 	snop  }
0x6: {  	_ = 	snop  }
0x7: {  	_ = 	snop  }
__scs_overlays_trampoline_lowered:
0x8: {  	[smem:$0x3FA8] =	sst s0  }
0x9: {  	[smem:$0x3FA9] =	sst s1  }
0xa: {  	[smem:$0x3FAA] =	sst s2  }
0xb: {  	[smem:$0x3FAB] =	sst s3  }
0xc: {  	[smem:$0x3FAC] =	sst s4  }
0xd: {  	[smem:$0x3FAD] =	sst s5  }
0xe: {  	[smem:$0x3FAE] =	sst s6  }
0xf: {  	[smem:$0x3FAF] =	sst s7  }
0x10: {  	[smem:$0x3FB0] =	sst s8  }
0x11: {  	[smem:$0x3FB1] =	sst s9;
	s0 =	simm.s32 @!p0 $0x0  }
0x12: {  	s1 =	sld [smem:$0x3F97];
	s0 =	simm.s32 @p0 $0x1  }
0x13: {  	[smem:$0x3FB2] =	sst s0;
	s0 =	simm.s32 @!p1 $0x0  }
0x14: {  	s2 =	sld [smem:$0x3F96];
	s0 =	simm.s32 @p1 $0x1  }
0x15: {  	[smem:$0x3FB3] =	sst s0;
	s0 =	simm.s32 @!p2 $0x0  }
0x16: {  	s3 =	sld [smem:$0x3FDB];
	s0 =	simm.s32 @p2 $0x1  }
0x17: {  	s4 =	simm.s32 $0x1BF5;
	[smem:$0x3FB5] =	sst s0  }
0x18: {  	s0 =	sld [smem:$0x3F98];
	_ =	swait.ge [sflag:s4], $0x0  }
0x19: {  	s7 =	sld [smem:$0x3F99]  }
0x1a: {  	s8 =	sadd.s32 $0xFFFFE003, lr  }
0x1b: {  	s9 =	sadd.s32 $0xFFFFFEF7, lr;
	s5 =	simm.s32 $0xFFFFFFFF;
	p2 =	slt.u32 s8, $0xFFFFF086  }
0x1c: {  	p1 =	slt.u32 s9, $0xF7A;
	s5 =	simm.s32 @!p2 $0x0  }
0x1d: {  	s5 =	simm.s32 @p1 $0x1;
	p0 =	seq.s32 s7, s2  }
0x1e: {  	s7 =	smul.u32 @!p0 $0xF7A, s2;
	p2 =	seq.s32 @!p0 s5, $0x0  }
0x1f: {  	s9 =	smul.u32 $0xF7A, s1;
	s8 =	simm.s32 @!p0 $0x1BF5;
	p2 =	por !p2, p0  }
0x20: {  	[sflag:s8] =	ssyncset.s32 @!p0 $0xFFFFF086;
	s6 =	sadd.s32 @!p0 s3, s7;
	s7 =	simm.s32 @!p0 $0x108  }
0x21: {  	s3 =	sadd.s32 s3, s9;
	s6 =	sadd.s32 @!p0 $0x88, s6;
	s7 =	simm.s32 @p2 $0x1082  }
0x22: {  	[simem:s7], [sflag:s8] =	dma.local @!p0 [hbm:s6], $0xF7A  }
0x23: {  	s9 =	sor.u32 $0xD0000000, s2;
	s6 =	simm.s32 $0x108;
	_ =	swait.ge @!p0 [sflag:s8], $0x0  }
0x24: {  	s3 =	sadd.s32 $0x88, s3;
	s6 =	simm.s32 @!p1 $0x1082;
	[sflag:s4] =	ssyncset.s32 $0xFFFFF086  }
0x25: {  	[simem:s6], [sflag:s4] =	dma.local [hbm:s3], $0xF7A  }
0x26: {  	[smem:$0x3F99] =	sst s1;
	(tag) =	ssettag s2;
	_ =	strace s9  }
0x27: {  	s1 =	sld [smem:$0x3FA9]  }
0x28: {  	s2 =	sld [smem:$0x3FAA]  }
0x29: {  	s4 =	sld [smem:$0x3FAC]  }
0x2a: {  	p0 =	seq.s32 s5, $0x0;
	s5 =	sld [smem:$0x3FAD]  }
0x2b: {  	s6 =	sld [smem:$0x3FAE]  }
0x2c: {  	s7 =	sld [smem:$0x3FAF]  }
0x2d: {  	s3 =	simm.s32 $0x108;
	s8 =	sld [smem:$0x3FB0]  }
0x2e: {  	s3 =	simm.s32 @!p0 $0x1082;
	s9 =	sld [smem:$0x3FB1]  }
0x2f: {  	lr =	sadd.s32 s0, s3;
	s0 =	sld [smem:$0x3FA8]  }
0x30: {  	s3 =	sld [smem:$0x3FAB]  }
0x31: {  	[smem:$0x3FB4] =	sst s10  }
0x32: {  	s10 =	sld [smem:$0x3FB2];
	_ =	sdelay $0x3  }
0x33: {  	p0 =	seq.s32 s10, $0x1;
	s10 =	sld [smem:$0x3FB4];
	_ =	sdelay $0x3  }
0x34: {  	[smem:$0x3FB4] =	sst s10  }
0x35: {  	s10 =	sld [smem:$0x3FB3];
	_ =	sdelay $0x3  }
0x36: {  	p1 =	seq.s32 s10, $0x1;
	s10 =	sld [smem:$0x3FB4];
	_ =	sdelay $0x3  }
0x37: {  	[smem:$0x3FB4] =	sst s10  }
0x38: {  	s10 =	sld [smem:$0x3FB5]  }
0x39: {  	_ = 	snop;
	(pc) =	sbr.ind lr, $3  }
0x3a: {  	_ = 	snop  }
0x3b: {  	_ = 	snop  }
0x3c: {  	p2 =	seq.s32 s10, $0x1;
	s10 =	sld [smem:$0x3FB4]  }
0x3d: {  	_ =	shalt  }
0x3e: {  	_ =	shalt  }
0x3f: {  	_ =	shalt  }
0x40: {  	_ =	shalt  }
0x41: {  	_ =	shalt  }
0x42: {  	_ =	shalt  }
0x43: {  	_ =	shalt  }
0x44: {  	_ =	shalt  }
0x45: {  	_ =	shalt  }
0x46: {  	_ =	shalt  }
0x47: {  	_ =	shalt  }
0x48: {  	_ =	shalt  }
0x49: {  	_ =	shalt  }
0x4a: {  	_ =	shalt  }
0x4b: {  	_ =	shalt  }
0x4c: {  	_ =	shalt  }
0x4d: {  	_ =	shalt  }
0x4e: {  	_ =	shalt  }
0x4f: {  	_ =	shalt  }
0x50: {  	_ =	shalt  }
0x51: {  	_ =	shalt  }
0x52: {  	_ =	shalt  }
0x53: {  	_ =	shalt  }
0x54: {  	_ =	shalt  }
0x55: {  	_ =	shalt  }
0x56: {  	_ =	shalt  }
0x57: {  	_ =	shalt  }
0x58: {  	_ =	shalt  }
0x59: {  	_ =	shalt  }
0x5a: {  	_ =	shalt  }
0x5b: {  	_ =	shalt  }
0x5c: {  	_ =	shalt  }
0x5d: {  	_ =	shalt  }
0x5e: {  	_ =	shalt  }
0x5f: {  	_ =	shalt  }
0x60: {  	_ =	shalt  }
0x61: {  	_ =	shalt  }
0x62: {  	_ =	shalt  }
0x63: {  	_ =	shalt  }
0x64: {  	_ =	shalt  }
0x65: {  	_ =	shalt  }
0x66: {  	_ =	shalt  }
0x67: {  	_ =	shalt  }
0x68: {  	_ =	shalt  }
0x69: {  	_ =	shalt  }
0x6a: {  	_ =	shalt  }
0x6b: {  	_ =	shalt  }
0x6c: {  	_ =	shalt  }
0x6d: {  	_ =	shalt  }
0x6e: {  	_ =	shalt  }
0x6f: {  	_ =	shalt  }
0x70: {  	_ =	shalt  }
0x71: {  	_ =	shalt  }
0x72: {  	_ =	shalt  }
0x73: {  	_ =	shalt  }
0x74: {  	_ =	shalt  }
0x75: {  	_ =	shalt  }
0x76: {  	_ =	shalt  }
0x77: {  	_ =	shalt  }
0x78: {  	_ =	shalt  }
0x79: {  	_ =	shalt  }
0x7a: {  	_ =	shalt  }
0x7b: {  	_ =	shalt  }
0x7c: {  	_ =	shalt  }
0x7d: {  	_ =	shalt  }
0x7e: {  	_ =	shalt  }
0x7f: {  	_ =	shalt  }
0x80: {  	_ =	shalt  }
0x81: {  	_ =	shalt  }
0x82: {  	_ =	shalt  }
0x83: {  	_ =	shalt  }
0x84: {  	_ =	shalt  }
0x85: {  	_ =	shalt  }
0x86: {  	_ =	shalt  }
0x87: {  	_ =	shalt  }
.Lfunc_end0:
.L_simem_size_0:
called_computation.1_lowered:
.L_overlay_start_0:
0x88: {  	s2 =	sld [smem:$0x3FD9]  }
0x89: {  	s3 =	sld [smem:$0x3FFE];
	_ =	sdelay $0x1  }
0x8a: {  	s1 =	srdreg.scid  }
0x8b: {  	s0 =	sand.u32 $0x1, s1  }
0x8c: {  	s14 =	sshll.u32 s0, $0xA;
	s2 =	sadd.s32 s3, s2  }
0x8d: {  	s2 =	sadd.s32 s2, s14  }
0x8e: {  	[smem:$0x3FC0] =	sst s2  }
0x8f: {  	_ = 	snop  }
0x90: {  	s2 =	sld [smem:$0x3FD0];
	_ =	sdelay $0x2  }
0x91: {  	s15 =	simm.s32 $0xA;
	s4 =	simm.s32 $0x10  }
0x92: {  	[smem:s4], [sflag:s15] =	dma.local [hbm:s2], $0x1  }
0x93: {  	_ =	swait.eq [sflag:s15], $0x1  }
0x94: {  	[sflag:s15] =	ssyncset.done $0x0  }
0x95: {  	[sflag:s15] =	ssyncadd.s32 $0xFFFFFFFF  }
0x96: {  	s16 =	sld [smem:$0x10];
	(tm) =	ssettm $0x1  }
0x97: {  	s17 =	sld [smem:$0x3FFB];
	_ =	sdelay $0x3  }
0x98: {  	_ =	strace s17  }
0x99: {  	s3 =	sld [smem:$0x3FFC];
	_ =	sdelay $0x3  }
0x9a: {  	_ =	strace s3  }
0x9b: {  	s3 =	sld [smem:$0x3FFD];
	_ =	sdelay $0x3  }
0x9c: {  	_ =	strace s3  }
0x9d: {  	_ =	strace $0x8FFFFFFF  }
0x9e: {  	s18 =	sld [smem:$0x3FDB];
	_ =	sdelay $0x1  }
0x9f: {  	s19 =	simm.s32 $_scs_section_size  }
0xa0: {  	s5 =	simm.s32 $_size__tile_overlayer_lowered;
	s6 =	simm.s32 $_tile_overlayer_lowered  }
0xa1: {  	s22 =	simm.s32 $0x1BFF;
	s21 =	sshll.u32 s6, $0x1;
	s3 =	sadd.s32 s19, s18  }
0xa2: {  	s7 =	simm.s32 $0x0;
	s20 =	sshll.u32 s5, $0x1;
	s5 =	sadd.s32 s21, s3  }
0xa3: {  	[timem:s7], [sflag:s22] =	dma.local [hbm:s5], s20  }
0xa4: {  	_ =	swait.ge [sflag:s22], s20  }
0xa5: {  	s4 =	ssub.s32 $0x0, s20;
	[sflag:s22] =	ssyncset.done $0x0  }
0xa6: {  	[sflag:s22] =	ssyncadd.s32 s4;
	_ =	sdelay $0x1  }
0xa7: {  	s23 =	simm.s32 $0x1B8B  }
0xa8: {  	_ =	swait.ge [sflag:s23], $0x1  }
0xa9: {  	[sflag:s23] =	ssyncset.done $0x0  }
0xaa: {  	s25 =	simm.s32 $0x1B8E;
	s24 =	sld [smem:$0x3FFE];
	[sflag:s23] =	ssyncadd.s32 $0xFFFFFFFF  }
0xab: {  	s26 =	simm.s32 $execute0_lowered;
	[smem:$0x3FD2] =	sst s25  }
0xac: {  	s5 =	sshll.u32 s26, $0x1;
	_ =	strace $0x80000049;
	[dreg:$0x1] =	wrdreg $0xFFFFFFFF  }
0xad: {  	s28 =	simm.s32 $_size_execute0_lowered;
	s3 =	sadd.s32 s3, s5;
	[dreg:$0x0] =	wrdreg $0x0  }
0xae: {  	s5 =	sshll.u32 s28, $0x1;
	[dreg:$0x2] =	wrdreg s3  }
0xaf: {  	[dreg:$0x3] =	wrdreg s5  }
0xb0: {  	[dreg:$0x4] =	wrdreg $0xC0  }
0xb1: {  	_ =	task [dreg:s7], $0x5FFFF  }
0xb2: {  	[dreg:$0x1] =	wrdreg $0xFFFFFFFF  }
0xb3: {  	[dreg:$0x0] =	wrdreg $0x60  }
0xb4: {  	[dreg:$0x2] =	wrdreg s24  }
0xb5: {  	[dreg:$0x3] =	wrdreg s16  }
0xb6: {  	[dreg:$0x4] =	wrdreg $0x9  }
0xb7: {  	_ =	task.clear_ibuf [dreg:s7], $0x5FFFF;
	_ =	strace $0x90000049  }
0xb8: {  	s29 =	simm.s32 $0x9;
	_ =	strace $0x8000004B  }
0xb9: {  	_ =	swait.ge [sflag:s29], $0x1  }
0xba: {  	[sflag:s29] =	ssyncadd.s32 $0xFFFFFFFF  }
0xbb: {  	_ =	strace $0x9000004B  }
0xbc: {  	_ =	sfence  }
0xbd: {  	s30 =	sld [smem:$0x0];
	_ =	sdelay $0x2  }
0xbe: {  	s31 =	sshll.u32 s1, $0xD;
	s1 =	sshrl.u32 s1, $0x2  }
0xbf: {  	s3 =	sand.u32 $0x4000, s31;
	s1 =	sadd.s32 s1, s30  }
0xc0: {  	s0 =	sor.u32 s3, s0;
	s1 =	sshll.u32 s1, $0x11  }
0xc1: {  	s0 =	sor.u32 s1, s0  }
0xc2: {  	s0 =	sadd.s32 $0x8F2B, s0  }
0xc3: {  	[sflag:s0] =	ssyncadd.remote.s32 $0x1  }
0xc4: {  	_ =	sfence.sel $0xFFFF  }
0xc5: {  	[dreg:$0x0] =	wrdreg $0xFFFFFFFF;
	(pc) =	sbr.abs _section_cstart, $3  }
0xc6: {  	[dreg:$0x1] =	wrdreg $0xFFFFFFFF  }
0xc7: {  	_ =	task.clear_ibuf [dreg:s7], $0x2FFFF;
	_ =	strace $0x9FFFFFFF  }
0xc8: {  	(tm) =	ssettm $0x7FFFFFFF  }
0xc9: {  	_ =	shalt  }
tec
execute0_lowered:
.L_overlay_start_1:
0x0: {  	(tag) =	ssettag $0x1  }
0x1: {  	s0 =	srdreg.scid;
	s1 =	rddreg [dreg:$0x0]  }
0x2: {  	s2 =	stileid.u32;
	s6 =	rddreg [dreg:$0x1]  }
0x3: {  	s26 =	simm.s32 $0x80;
	s8 =	simm.s32 $0x2;
	s18 =	simm.s32 $0x1  }
0x4: {  	s21 =	simm.s32 $0x1900;
	s22 =	simm.s32 $0x2100;
	s28 =	simm.s32 $0x4900  }
0x5: {  	s29 =	simm.s32 $0x5100;
	s30 =	simm.s32 $0x5900;
	s31 =	simm.s32 $0x6100  }
0x6: {  	s10 =	simm.s32 $0x7900;
	s11 =	simm.s32 $0x8100;
	s12 =	simm.s32 $0x8900  }
0x7: {  	s13 =	simm.s32 $0x9100;
	s14 =	simm.s32 $0x9900;
	s15 =	simm.s32 $0xA100  }
0x8: {  	s16 =	simm.s32 $0xA900;
	s17 =	simm.s32 $0xB100;
	s0 =	sand.u32 $0x1, s0  }
0x9: {  	s9 =	simm.s32 $0xB900;
	s2 =	sshll.u32 s2, $0x7;
	s3 =	sshll.u32 s0, $0x6  }
0xa: {  	s0 =	ssub.s32 $0x2, s0;
	s3 =	sor.u32 s3, s2;
	s2 =	simm.s32 $0x0  }
0xb: {  	s25 =	sshrl.u32 s0, $0x1;
	s4 =	sshrl.u32 s3, $0x3;
	[smem:$0x7FF] =	sst s2  }
0xc: {  	s7 =	sshll.u32 s3, $0x7;
	s0 =	ssub.s32 s0, s25;
	s25 =	simm.s32 $0x3900  }
0xd: {  	s23 =	sadd.s32 s4, s1;
	_ =	strace $0x8000004A;
	s24 =	sadd.s32 s7, s1  }
0xe: {  	s7 =	sadd.s32 s6, s7;
	s6 =	sadd.s32 $0x11F100, s1;
	[dreg:$0x7] =	wrdreg s26  }
0xf: {  	s26 =	simm.s32 $0x4100;
	s5 =	sadd.s32 $0x9EA00, s23;
	[dreg:$0x6] =	wrdreg s7  }
0x10: {  	s3 =	sadd.s32 $0x9EC00, s23;
	s4 =	sadd.s32 $0xDEE00, s24;
	[dreg:$0x3] =	wrdreg s5  }
0x11: {  	v2 =	vlaneseq.u32;
	s7 =	smax.u32 s0, $0x1;
	s23 =	simm.s32 $0x2900;
	[dreg:$0x4] =	wrdreg s3  }
0x12: {  	vm0 =	vmmov $0xffff;
	v1 =	vshrl.u32 v2, $0x3;
	s24 =	simm.s32 $0x3100;
	s3 =	sadd.s32 $0x11EE00, s1;
	[dreg:$0x5] =	wrdreg s4  }
0x13: {  	v0 =	vand.u32 $0x7, v2;
	v2 =	vor.u32 $0x8, v2;
	v1 =	vmul.u32 $0x8, v1;
	s4 =	sadd.s32 $0x11EF00, s1;
	s5 =	sadd.s32 $0x11F000, s1;
	s1 =	simm.s32 $0x6900  }
.LBB2_1:
0x14: {  	s19 =	rddreg [dreg:$0x3]  }
0x15: {  	[tilespmem:s2], [sflag:$0x2] =	stream.linear.gather [hbm4b:s19+s2], $0x40, $0x38;
	[tilespmem:$0x10100] =	vst v63  }
0x16: {  	_ =	swait.ge [sflag:s8], $0x40  }
0x17: {  	s0 =	rddreg [dreg:$0x4];
	[sflag:s8] =	ssyncset.done $0x0  }
0x18: {  	s20 =	rddreg [dreg:$0x7];
	[sflag:s8] =	ssyncadd.s32 $0xFFFFFFC0  }
0x19: {  	[tilespmem:s20], [sflag:$0x2] =	stream.linear.gather [hbm4b:s0+s2], $0x40, $0x38;
	[tilespmem:$0x10100] =	vst v63  }
0x1a: {  	_ =	swait.ge [sflag:s8], $0x40  }
0x1b: {  	[sflag:s8] =	ssyncset.done $0x0  }
0x1c: {  	s0 =	simm.s32 $0x100;
	s20 =	rddreg [dreg:$0x5];
	[sflag:s8] =	ssyncadd.s32 $0xFFFFFFC0  }
0x1d: {  	[tilespmem:s0], [sflag:$0x2] =	stream.linear.gather [hbm4b:s20+s2], $0x10000, $0x38;
	[tilespmem:$0x10100] =	vst v63  }
0x1e: {  	_ =	swait.ge [sflag:s8], $0x10000  }
0x1f: {  	[sflag:s8] =	ssyncset.done $0x0  }
0x20: {  	[sflag:s8] =	ssyncadd.s32 $0xFFFF0000  }
0x21: {  	v3 =	vld [tilespmem:$0x0];
	_ =	sdelay $0x4  }
0x22: {  	v4 =	vshll.u32 v3, $0x3  }
0x23: {  	v3 =	vand.u32 $0x7, v3;
	v4 =	vand.u32 $0xFFFFFFC0, v4  }
0x24: {  	v3 =	vor.u32 v3, v4  }
0x25: {  	v4 =	vperm.xlane v3, v0;
	_ =	sdelay $0x1  }
0x26: {  	v4 =	vadd.s32 v1, v4;
	_ =	sdelay $0x3  }
0x27: {  	s19 =	simm.s32 $0x100  }
0x28: {  	[tilespmem:s19], [sflag:$0x1] =	stream.indirect_vreg.gather [hbm4b:s3+s2], $0x80, v4, vm0, $0xb8;
	[tilespmem:$0x10100] =	vst v63  }
0x29: {  	v3 =	vperm.xlane v3, v2;
	s19 =	simm.s32 $0x900  }
0x2a: {  	[tilespmem:s19], [sflag:$0x1] =	stream.indirect_vreg.gather [hbm4b:s4+s2], $0x80, v4, vm0, $0xb8;
	[tilespmem:$0x10100] =	vst v63  }
0x2b: {  	s20 =	simm.s32 $0x1100;
	v3 =	vadd.s32 v1, v3  }
0x2c: {  	[tilespmem:s20], [sflag:$0x1] =	stream.indirect_vreg.gather [hbm4b:s5+s2], $0x80, v4, vm0, $0xb8;
	[tilespmem:$0x10100] =	vst v63  }
0x2d: {  	_ = 	snop  }
0x2e: {  	[tilespmem:s21], [sflag:$0x1] =	stream.indirect_vreg.gather [hbm4b:s6+s2], $0x80, v4, vm0, $0xb8;
	[tilespmem:$0x10100] =	vst v63  }
0x2f: {  	_ = 	snop  }
0x30: {  	[tilespmem:s22], [sflag:$0x1] =	stream.indirect_vreg.gather [hbm4b:s3+s2], $0x80, v3, vm0, $0xb8;
	[tilespmem:$0x10100] =	vst v63  }
0x31: {  	_ = 	snop  }
0x32: {  	[tilespmem:s23], [sflag:$0x1] =	stream.indirect_vreg.gather [hbm4b:s4+s2], $0x80, v3, vm0, $0xb8;
	[tilespmem:$0x10100] =	vst v63  }
0x33: {  	_ = 	snop  }
0x34: {  	[tilespmem:s24], [sflag:$0x1] =	stream.indirect_vreg.gather [hbm4b:s5+s2], $0x80, v3, vm0, $0xb8;
	[tilespmem:$0x10100] =	vst v63  }
0x35: {  	_ = 	snop  }
0x36: {  	[tilespmem:s25], [sflag:$0x1] =	stream.indirect_vreg.gather [hbm4b:s6+s2], $0x80, v3, vm0, $0xb8;
	[tilespmem:$0x10100] =	vst v63  }
0x37: {  	v3 =	vld [tilespmem:$0x10];
	_ =	sdelay $0x4  }
0x38: {  	v57 =	vshll.u32 v3, $0x3  }
0x39: {  	v3 =	vand.u32 $0x7, v3;
	v4 =	vand.u32 $0xFFFFFFC0, v57  }
0x3a: {  	v3 =	vor.u32 v3, v4  }
0x3b: {  	v4 =	vperm.xlane v3, v0;
	_ =	sdelay $0x1  }
0x3c: {  	v4 =	vadd.s32 v1, v4;
	_ =	sdelay $0x4  }
0x3d: {  	[tilespmem:s26], [sflag:$0x1] =	stream.indirect_vreg.gather [hbm4b:s3+s2], $0x80, v4, vm0, $0xb8;
	[tilespmem:$0x10100] =	vst v63  }
0x3e: {  	v3 =	vperm.xlane v3, v2  }
0x3f: {  	[tilespmem:s28], [sflag:$0x1] =	stream.indirect_vreg.gather [hbm4b:s4+s2], $0x80, v4, vm0, $0xb8;
	[tilespmem:$0x10100] =	vst v63  }
0x40: {  	v3 =	vadd.s32 v1, v3  }
0x41: {  	[tilespmem:s29], [sflag:$0x1] =	stream.indirect_vreg.gather [hbm4b:s5+s2], $0x80, v4, vm0, $0xb8;
	[tilespmem:$0x10100] =	vst v63  }
0x42: {  	_ = 	snop  }
0x43: {  	[tilespmem:s30], [sflag:$0x1] =	stream.indirect_vreg.gather [hbm4b:s6+s2], $0x80, v4, vm0, $0xb8;
	[tilespmem:$0x10100] =	vst v63  }
0x44: {  	_ = 	snop  }
0x45: {  	[tilespmem:s31], [sflag:$0x1] =	stream.indirect_vreg.gather [hbm4b:s3+s2], $0x80, v3, vm0, $0xb8;
	[tilespmem:$0x10100] =	vst v63  }
0x46: {  	_ = 	snop  }
0x47: {  	[tilespmem:s1], [sflag:$0x1] =	stream.indirect_vreg.gather [hbm4b:s4+s2], $0x80, v3, vm0, $0xb8;
	[tilespmem:$0x10100] =	vst v63  }
0x48: {  	s0 =	simm.s32 $0x7100  }
0x49: {  	[tilespmem:s0], [sflag:$0x1] =	stream.indirect_vreg.gather [hbm4b:s5+s2], $0x80, v3, vm0, $0xb8;
	[tilespmem:$0x10100] =	vst v63  }
0x4a: {  	_ = 	snop  }
0x4b: {  	[tilespmem:s10], [sflag:$0x1] =	stream.indirect_vreg.gather [hbm4b:s6+s2], $0x80, v3, vm0, $0xb8;
	[tilespmem:$0x10100] =	vst v63  }
0x4c: {  	v3 =	vld [tilespmem:$0x20];
	_ =	sdelay $0x4  }
0x4d: {  	v58 =	vshll.u32 v3, $0x3  }
0x4e: {  	v3 =	vand.u32 $0x7, v3;
	v4 =	vand.u32 $0xFFFFFFC0, v58  }
0x4f: {  	v3 =	vor.u32 v3, v4  }
0x50: {  	v4 =	vperm.xlane v3, v0;
	_ =	sdelay $0x1  }
0x51: {  	v4 =	vadd.s32 v1, v4;
	_ =	sdelay $0x4  }
0x52: {  	[tilespmem:s11], [sflag:$0x1] =	stream.indirect_vreg.gather [hbm4b:s3+s2], $0x80, v4, vm0, $0xb8;
	[tilespmem:$0x10100] =	vst v63  }
0x53: {  	v3 =	vperm.xlane v3, v2  }
0x54: {  	[tilespmem:s12], [sflag:$0x1] =	stream.indirect_vreg.gather [hbm4b:s4+s2], $0x80, v4, vm0, $0xb8;
	[tilespmem:$0x10100] =	vst v63  }
0x55: {  	v3 =	vadd.s32 v1, v3  }
0x56: {  	[tilespmem:s13], [sflag:$0x1] =	stream.indirect_vreg.gather [hbm4b:s5+s2], $0x80, v4, vm0, $0xb8;
	[tilespmem:$0x10100] =	vst v63  }
0x57: {  	_ = 	snop  }
0x58: {  	[tilespmem:s14], [sflag:$0x1] =	stream.indirect_vreg.gather [hbm4b:s6+s2], $0x80, v4, vm0, $0xb8;
	[tilespmem:$0x10100] =	vst v63  }
0x59: {  	_ = 	snop  }
0x5a: {  	[tilespmem:s15], [sflag:$0x1] =	stream.indirect_vreg.gather [hbm4b:s3+s2], $0x80, v3, vm0, $0xb8;
	[tilespmem:$0x10100] =	vst v63  }
0x5b: {  	_ = 	snop  }
0x5c: {  	[tilespmem:s16], [sflag:$0x1] =	stream.indirect_vreg.gather [hbm4b:s4+s2], $0x80, v3, vm0, $0xb8;
	[tilespmem:$0x10100] =	vst v63  }
0x5d: {  	_ = 	snop  }
0x5e: {  	[tilespmem:s17], [sflag:$0x1] =	stream.indirect_vreg.gather [hbm4b:s5+s2], $0x80, v3, vm0, $0xb8;
	[tilespmem:$0x10100] =	vst v63  }
0x5f: {  	_ = 	snop  }
0x60: {  	[tilespmem:s9], [sflag:$0x1] =	stream.indirect_vreg.gather [hbm4b:s6+s2], $0x80, v3, vm0, $0xb8;
	[tilespmem:$0x10100] =	vst v63  }
0x61: {  	v3 =	vld [tilespmem:$0x30];
	_ =	sdelay $0x4  }
0x62: {  	v59 =	vshll.u32 v3, $0x3  }
0x63: {  	v3 =	vand.u32 $0x7, v3;
	v4 =	vand.u32 $0xFFFFFFC0, v59  }
0x64: {  	v3 =	vor.u32 v3, v4  }
0x65: {  	v4 =	vperm.xlane v3, v0;
	_ =	sdelay $0x1  }
0x66: {  	v4 =	vadd.s32 v1, v4;
	_ =	sdelay $0x3  }
0x67: {  	s0 =	simm.s32 $0xC100  }
0x68: {  	[tilespmem:s0], [sflag:$0x1] =	stream.indirect_vreg.gather [hbm4b:s3+s2], $0x80, v4, vm0, $0xb8;
	[tilespmem:$0x10100] =	vst v63  }
0x69: {  	v3 =	vperm.xlane v3, v2;
	s0 =	simm.s32 $0xC900  }
0x6a: {  	[tilespmem:s0], [sflag:$0x1] =	stream.indirect_vreg.gather [hbm4b:s4+s2], $0x80, v4, vm0, $0xb8;
	[tilespmem:$0x10100] =	vst v63  }
0x6b: {  	v3 =	vadd.s32 v1, v3;
	s0 =	simm.s32 $0xD100  }
0x6c: {  	[tilespmem:s0], [sflag:$0x1] =	stream.indirect_vreg.gather [hbm4b:s5+s2], $0x80, v4, vm0, $0xb8;
	[tilespmem:$0x10100] =	vst v63  }
0x6d: {  	s0 =	simm.s32 $0xD900  }
0x6e: {  	[tilespmem:s0], [sflag:$0x1] =	stream.indirect_vreg.gather [hbm4b:s6+s2], $0x80, v4, vm0, $0xb8;
	[tilespmem:$0x10100] =	vst v63  }
0x6f: {  	s0 =	simm.s32 $0xE100  }
0x70: {  	[tilespmem:s0], [sflag:$0x1] =	stream.indirect_vreg.gather [hbm4b:s3+s2], $0x80, v3, vm0, $0xb8;
	[tilespmem:$0x10100] =	vst v63  }
0x71: {  	s0 =	simm.s32 $0xE900  }
0x72: {  	[tilespmem:s0], [sflag:$0x1] =	stream.indirect_vreg.gather [hbm4b:s4+s2], $0x80, v3, vm0, $0xb8;
	[tilespmem:$0x10100] =	vst v63  }
0x73: {  	s0 =	simm.s32 $0xF100  }
0x74: {  	[tilespmem:s0], [sflag:$0x1] =	stream.indirect_vreg.gather [hbm4b:s5+s2], $0x80, v3, vm0, $0xb8;
	[tilespmem:$0x10100] =	vst v63  }
0x75: {  	s0 =	simm.s32 $0xF900  }
0x76: {  	[tilespmem:s0], [sflag:$0x1] =	stream.indirect_vreg.gather [hbm4b:s6+s2], $0x80, v3, vm0, $0xb8;
	[tilespmem:$0x10100] =	vst v63  }
0x77: {  	_ =	swait.ge [sflag:s18], $0x10000  }
0x78: {  	[sflag:s18] =	ssyncset.done $0x0  }
0x79: {  	[sflag:s18] =	ssyncadd.s32 $0xFFFF0000  }
0x7a: {  	v3 =	vld [tilespmem:$0x80];
	_ =	sdelay $0x4  }
0x7b: {  	v60 =	vshll.u32 v3, $0x3  }
0x7c: {  	v3 =	vand.u32 $0x7, v3;
	v4 =	vand.u32 $0xFFFFFFC0, v60  }
0x7d: {  	v3 =	vor.u32 v3, v4  }
0x7e: {  	v4 =	vperm.xlane v3, v0;
	_ =	sdelay $0x1  }
0x7f: {  	v4 =	vadd.s32 v1, v4;
	_ =	sdelay $0x3  }
0x80: {  	s0 =	simm.s32 $0x100  }
0x81: {  	[tilespmem:s0], [sflag:$0x1] =	stream.indirect_vreg.gather [hbm4b:s3+s2], $0x80, v4, vm0, $0xb8;
	[tilespmem:$0x10100] =	vst v63  }
0x82: {  	v3 =	vperm.xlane v3, v2  }
0x83: {  	[tilespmem:s19], [sflag:$0x1] =	stream.indirect_vreg.gather [hbm4b:s4+s2], $0x80, v4, vm0, $0xb8;
	[tilespmem:$0x10100] =	vst v63  }
0x84: {  	v3 =	vadd.s32 v1, v3  }
0x85: {  	[tilespmem:s20], [sflag:$0x1] =	stream.indirect_vreg.gather [hbm4b:s5+s2], $0x80, v4, vm0, $0xb8;
	[tilespmem:$0x10100] =	vst v63  }
0x86: {  	_ = 	snop  }
0x87: {  	[tilespmem:s21], [sflag:$0x1] =	stream.indirect_vreg.gather [hbm4b:s6+s2], $0x80, v4, vm0, $0xb8;
	[tilespmem:$0x10100] =	vst v63  }
0x88: {  	_ = 	snop  }
0x89: {  	[tilespmem:s22], [sflag:$0x1] =	stream.indirect_vreg.gather [hbm4b:s3+s2], $0x80, v3, vm0, $0xb8;
	[tilespmem:$0x10100] =	vst v63  }
0x8a: {  	_ = 	snop  }
0x8b: {  	[tilespmem:s23], [sflag:$0x1] =	stream.indirect_vreg.gather [hbm4b:s4+s2], $0x80, v3, vm0, $0xb8;
	[tilespmem:$0x10100] =	vst v63  }
0x8c: {  	_ = 	snop  }
0x8d: {  	[tilespmem:s24], [sflag:$0x1] =	stream.indirect_vreg.gather [hbm4b:s5+s2], $0x80, v3, vm0, $0xb8;
	[tilespmem:$0x10100] =	vst v63  }
0x8e: {  	_ = 	snop  }
0x8f: {  	[tilespmem:s25], [sflag:$0x1] =	stream.indirect_vreg.gather [hbm4b:s6+s2], $0x80, v3, vm0, $0xb8;
	[tilespmem:$0x10100] =	vst v63  }
0x90: {  	v3 =	vld [tilespmem:$0x90];
	_ =	sdelay $0x4  }
0x91: {  	v61 =	vshll.u32 v3, $0x3  }
0x92: {  	v3 =	vand.u32 $0x7, v3;
	v4 =	vand.u32 $0xFFFFFFC0, v61  }
0x93: {  	v3 =	vor.u32 v3, v4  }
0x94: {  	v4 =	vperm.xlane v3, v0;
	_ =	sdelay $0x1  }
0x95: {  	v4 =	vadd.s32 v1, v4;
	_ =	sdelay $0x4  }
0x96: {  	[tilespmem:s26], [sflag:$0x1] =	stream.indirect_vreg.gather [hbm4b:s3+s2], $0x80, v4, vm0, $0xb8;
	[tilespmem:$0x10100] =	vst v63  }
0x97: {  	v3 =	vperm.xlane v3, v2  }
0x98: {  	[tilespmem:s28], [sflag:$0x1] =	stream.indirect_vreg.gather [hbm4b:s4+s2], $0x80, v4, vm0, $0xb8;
	[tilespmem:$0x10100] =	vst v63  }
0x99: {  	v3 =	vadd.s32 v1, v3  }
0x9a: {  	[tilespmem:s29], [sflag:$0x1] =	stream.indirect_vreg.gather [hbm4b:s5+s2], $0x80, v4, vm0, $0xb8;
	[tilespmem:$0x10100] =	vst v63  }
0x9b: {  	_ = 	snop  }
0x9c: {  	[tilespmem:s30], [sflag:$0x1] =	stream.indirect_vreg.gather [hbm4b:s6+s2], $0x80, v4, vm0, $0xb8;
	[tilespmem:$0x10100] =	vst v63  }
0x9d: {  	_ = 	snop  }
0x9e: {  	[tilespmem:s31], [sflag:$0x1] =	stream.indirect_vreg.gather [hbm4b:s3+s2], $0x80, v3, vm0, $0xb8;
	[tilespmem:$0x10100] =	vst v63  }
0x9f: {  	_ = 	snop  }
0xa0: {  	[tilespmem:s1], [sflag:$0x1] =	stream.indirect_vreg.gather [hbm4b:s4+s2], $0x80, v3, vm0, $0xb8;
	[tilespmem:$0x10100] =	vst v63  }
0xa1: {  	s20 =	simm.s32 $0x7100  }
0xa2: {  	[tilespmem:s20], [sflag:$0x1] =	stream.indirect_vreg.gather [hbm4b:s5+s2], $0x80, v3, vm0, $0xb8;
	[tilespmem:$0x10100] =	vst v63  }
0xa3: {  	_ = 	snop  }
0xa4: {  	[tilespmem:s10], [sflag:$0x1] =	stream.indirect_vreg.gather [hbm4b:s6+s2], $0x80, v3, vm0, $0xb8;
	[tilespmem:$0x10100] =	vst v63  }
0xa5: {  	v3 =	vld [tilespmem:$0xA0];
	_ =	sdelay $0x4  }
0xa6: {  	v62 =	vshll.u32 v3, $0x3  }
0xa7: {  	v3 =	vand.u32 $0x7, v3;
	v4 =	vand.u32 $0xFFFFFFC0, v62  }
0xa8: {  	v3 =	vor.u32 v3, v4  }
0xa9: {  	v4 =	vperm.xlane v3, v0;
	_ =	sdelay $0x1  }
0xaa: {  	v4 =	vadd.s32 v1, v4;
	_ =	sdelay $0x4  }
0xab: {  	[tilespmem:s11], [sflag:$0x1] =	stream.indirect_vreg.gather [hbm4b:s3+s2], $0x80, v4, vm0, $0xb8;
	[tilespmem:$0x10100] =	vst v63  }
0xac: {  	v3 =	vperm.xlane v3, v2  }
0xad: {  	[tilespmem:s12], [sflag:$0x1] =	stream.indirect_vreg.gather [hbm4b:s4+s2], $0x80, v4, vm0, $0xb8;
	[tilespmem:$0x10100] =	vst v63  }
0xae: {  	v3 =	vadd.s32 v1, v3  }
0xaf: {  	[tilespmem:s13], [sflag:$0x1] =	stream.indirect_vreg.gather [hbm4b:s5+s2], $0x80, v4, vm0, $0xb8;
	[tilespmem:$0x10100] =	vst v63  }
0xb0: {  	_ = 	snop  }
0xb1: {  	[tilespmem:s14], [sflag:$0x1] =	stream.indirect_vreg.gather [hbm4b:s6+s2], $0x80, v4, vm0, $0xb8;
	[tilespmem:$0x10100] =	vst v63  }
0xb2: {  	_ = 	snop  }
0xb3: {  	[tilespmem:s15], [sflag:$0x1] =	stream.indirect_vreg.gather [hbm4b:s3+s2], $0x80, v3, vm0, $0xb8;
	[tilespmem:$0x10100] =	vst v63  }
0xb4: {  	_ = 	snop  }
0xb5: {  	[tilespmem:s16], [sflag:$0x1] =	stream.indirect_vreg.gather [hbm4b:s4+s2], $0x80, v3, vm0, $0xb8;
	[tilespmem:$0x10100] =	vst v63  }
0xb6: {  	_ = 	snop  }
0xb7: {  	[tilespmem:s17], [sflag:$0x1] =	stream.indirect_vreg.gather [hbm4b:s5+s2], $0x80, v3, vm0, $0xb8;
	[tilespmem:$0x10100] =	vst v63  }
0xb8: {  	_ = 	snop  }
0xb9: {  	[tilespmem:s9], [sflag:$0x1] =	stream.indirect_vreg.gather [hbm4b:s6+s2], $0x80, v3, vm0, $0xb8;
	[tilespmem:$0x10100] =	vst v63  }
0xba: {  	v3 =	vld [tilespmem:$0xB0];
	_ =	sdelay $0x4  }
0xbb: {  	v63 =	vshll.u32 v3, $0x3  }
0xbc: {  	v3 =	vand.u32 $0x7, v3;
	v4 =	vand.u32 $0xFFFFFFC0, v63  }
0xbd: {  	v3 =	vor.u32 v3, v4  }
0xbe: {  	v4 =	vperm.xlane v3, v0;
	_ =	sdelay $0x1  }
0xbf: {  	v4 =	vadd.s32 v1, v4;
	_ =	sdelay $0x3  }
0xc0: {  	s19 =	simm.s32 $0xC100  }
0xc1: {  	[tilespmem:s19], [sflag:$0x1] =	stream.indirect_vreg.gather [hbm4b:s3+s2], $0x80, v4, vm0, $0xb8;
	[tilespmem:$0x10100] =	vst v63  }
0xc2: {  	s20 =	simm.s32 $0xC900;
	v3 =	vperm.xlane v3, v2  }
0xc3: {  	[tilespmem:s20], [sflag:$0x1] =	stream.indirect_vreg.gather [hbm4b:s4+s2], $0x80, v4, vm0, $0xb8;
	[tilespmem:$0x10100] =	vst v63  }
0xc4: {  	v3 =	vadd.s32 v1, v3;
	s19 =	simm.s32 $0xD100  }
0xc5: {  	[tilespmem:s19], [sflag:$0x1] =	stream.indirect_vreg.gather [hbm4b:s5+s2], $0x80, v4, vm0, $0xb8;
	[tilespmem:$0x10100] =	vst v63  }
0xc6: {  	s20 =	simm.s32 $0xD900  }
0xc7: {  	[tilespmem:s20], [sflag:$0x1] =	stream.indirect_vreg.gather [hbm4b:s6+s2], $0x80, v4, vm0, $0xb8;
	[tilespmem:$0x10100] =	vst v63  }
0xc8: {  	s19 =	simm.s32 $0xE100  }
0xc9: {  	[tilespmem:s19], [sflag:$0x1] =	stream.indirect_vreg.gather [hbm4b:s3+s2], $0x80, v3, vm0, $0xb8;
	[tilespmem:$0x10100] =	vst v63  }
0xca: {  	s20 =	simm.s32 $0xE900  }
0xcb: {  	[tilespmem:s20], [sflag:$0x1] =	stream.indirect_vreg.gather [hbm4b:s4+s2], $0x80, v3, vm0, $0xb8;
	[tilespmem:$0x10100] =	vst v63  }
0xcc: {  	s19 =	simm.s32 $0xF100  }
0xcd: {  	[tilespmem:s19], [sflag:$0x1] =	stream.indirect_vreg.gather [hbm4b:s5+s2], $0x80, v3, vm0, $0xb8;
	[tilespmem:$0x10100] =	vst v63  }
0xce: {  	s20 =	simm.s32 $0xF900  }
0xcf: {  	[tilespmem:s20], [sflag:$0x1] =	stream.indirect_vreg.gather [hbm4b:s6+s2], $0x80, v3, vm0, $0xb8;
	[tilespmem:$0x10100] =	vst v63  }
0xd0: {  	_ =	swait.ge [sflag:s18], $0x10000  }
0xd1: {  	p0 =	sne.s32 s7, $0x1;
	s20 =	simm.s32 $0x100;
	[sflag:s18] =	ssyncset.done $0x0  }
.Ltmp0:
0xd2: {  	s0 =	rddreg [dreg:$0x6];
	[sflag:s18] =	ssyncadd.s32 $0xFFFF0000;
	(pc) =	sbr.rel @p0 .LBB2_1-.Ltmp0, $4  }
0xd3: {  	[hbm4b:s0+s2] =	stream.linear.scatter [tilespmem:s20], [sflag:$0x2], $0x10000, $0x38;
	[tilespmem:$0x10100] =	vst v63  }
0xd4: {  	_ =	swait.ge [sflag:s8], $0x10000  }
0xd5: {  	[sflag:s8] =	ssyncset.done $0x0  }
0xd6: {  	s7 =	sadd.s32 $0xFFFFFFFF, s7;
	[sflag:s8] =	ssyncadd.s32 $0xFFFF0000  }
0xd7: {  	_ =	sfence.sel $0x180000  }
0xd8: {  	[bflag:$0x0] =	sbarrier.arrive $0xFFFF  }
0xd9: {  	_ =	strace $0x9000004A  }
0xda: {  	s0 =	stileid.u32;
	[bflag:$0x2] =	sbarrier.arrive $0xFFFF  }
0xdb: {  	p0 =	sne.s32 s0, $0x0;
	s0 =	rddreg [dreg:$0x2]  }
0xdc: {  	s0 =	sadd.s32 @!p0 $0x100000, s0  }
0xdd: {  	[sflag:s0] =	ssyncadd.tile.s32 @!p0 $0x1;
	_ =	shalt  }
.Lfunc_end2:
_tile_overlayer_lowered:
.L_overlay_start_2:
0xde: {  	(tag) =	ssettag $0x2  }
0xdf: {  	s0 =	rddreg [dreg:$0x0];
	s2 =	stileid.u32  }
0xe0: {  	s1 =	rddreg [dreg:$0x1];
	p0 =	sne.s32 s2, $0x0  }
0xe1: {  	s3 =	rddreg [dreg:$0x2];
	[bflag:$0x3] =	sbarrier.arrive $0xFFFF;
	s2 =	simm.s32 @!p0 $0x1C02  }
0xe2: {  	[timem:s3], [sflag:s2] =	dma.local @!p0 [hbm:s0], s1  }
0xe3: {  	s0 =	simm.s32 @!p0 $0x2  }
0xe4: {  	_ =	swait.ge @!p0 [sflag:s0], s1  }
0xe5: {  	s1 =	ssub.s32 @!p0 $0x0, s1;
	[sflag:s0] =	ssyncset.done @!p0 $0x0  }
0xe6: {  	[sflag:s0] =	ssyncadd.s32 @!p0 s1  }
0xe7: {  	[bflag:$0x3] =	sbarrier.arrive $0xFFFF  }
0xe8: {  	_ =	shalt  }

// kernel: kernel.7.cloned.1.call-start
scs
__scs_entry_jumppad:
0x0: {  	(pc) =	sbr.rel $0x88, $3  }
0x1: {  	(tag) =	ssettag $0x0;
	lr =	simm.s32 $0x1  }
0x2: {  	[smem:$0x3F99] =	sst lr;
	_ =	strace $0xD0000000  }
0x3: {  	_ = 	snop  }
0x4: {  	_ = 	snop  }
0x5: {  	_ = 	snop  }
0x6: {  	_ = 	snop  }
0x7: {  	_ = 	snop  }
__scs_overlays_trampoline_lowered:
0x8: {  	[smem:$0x3FA8] =	sst s0  }
0x9: {  	[smem:$0x3FA9] =	sst s1  }
0xa: {  	[smem:$0x3FAA] =	sst s2  }
0xb: {  	[smem:$0x3FAB] =	sst s3  }
0xc: {  	[smem:$0x3FAC] =	sst s4  }
0xd: {  	[smem:$0x3FAD] =	sst s5  }
0xe: {  	[smem:$0x3FAE] =	sst s6  }
0xf: {  	[smem:$0x3FAF] =	sst s7  }
0x10: {  	[smem:$0x3FB0] =	sst s8  }
0x11: {  	[smem:$0x3FB1] =	sst s9;
	s0 =	simm.s32 @!p0 $0x0  }
0x12: {  	s1 =	sld [smem:$0x3F97];
	s0 =	simm.s32 @p0 $0x1  }
0x13: {  	[smem:$0x3FB2] =	sst s0;
	s0 =	simm.s32 @!p1 $0x0  }
0x14: {  	s2 =	sld [smem:$0x3F96];
	s0 =	simm.s32 @p1 $0x1  }
0x15: {  	[smem:$0x3FB3] =	sst s0;
	s0 =	simm.s32 @!p2 $0x0  }
0x16: {  	s3 =	sld [smem:$0x3FDB];
	s0 =	simm.s32 @p2 $0x1  }
0x17: {  	s4 =	simm.s32 $0x1BF5;
	[smem:$0x3FB5] =	sst s0  }
0x18: {  	s0 =	sld [smem:$0x3F98];
	_ =	swait.ge [sflag:s4], $0x0  }
0x19: {  	s7 =	sld [smem:$0x3F99]  }
0x1a: {  	s8 =	sadd.s32 $0xFFFFE003, lr  }
0x1b: {  	s9 =	sadd.s32 $0xFFFFFEF7, lr;
	s5 =	simm.s32 $0xFFFFFFFF;
	p2 =	slt.u32 s8, $0xFFFFF086  }
0x1c: {  	p1 =	slt.u32 s9, $0xF7A;
	s5 =	simm.s32 @!p2 $0x0  }
0x1d: {  	s5 =	simm.s32 @p1 $0x1;
	p0 =	seq.s32 s7, s2  }
0x1e: {  	s7 =	smul.u32 @!p0 $0xF7A, s2;
	p2 =	seq.s32 @!p0 s5, $0x0  }
0x1f: {  	s9 =	smul.u32 $0xF7A, s1;
	s8 =	simm.s32 @!p0 $0x1BF5;
	p2 =	por !p2, p0  }
0x20: {  	[sflag:s8] =	ssyncset.s32 @!p0 $0xFFFFF086;
	s6 =	sadd.s32 @!p0 s3, s7;
	s7 =	simm.s32 @!p0 $0x108  }
0x21: {  	s3 =	sadd.s32 s3, s9;
	s6 =	sadd.s32 @!p0 $0x88, s6;
	s7 =	simm.s32 @p2 $0x1082  }
0x22: {  	[simem:s7], [sflag:s8] =	dma.local @!p0 [hbm:s6], $0xF7A  }
0x23: {  	s9 =	sor.u32 $0xD0000000, s2;
	s6 =	simm.s32 $0x108;
	_ =	swait.ge @!p0 [sflag:s8], $0x0  }
0x24: {  	s3 =	sadd.s32 $0x88, s3;
	s6 =	simm.s32 @!p1 $0x1082;
	[sflag:s4] =	ssyncset.s32 $0xFFFFF086  }
0x25: {  	[simem:s6], [sflag:s4] =	dma.local [hbm:s3], $0xF7A  }
0x26: {  	[smem:$0x3F99] =	sst s1;
	(tag) =	ssettag s2;
	_ =	strace s9  }
0x27: {  	s1 =	sld [smem:$0x3FA9]  }
0x28: {  	s2 =	sld [smem:$0x3FAA]  }
0x29: {  	s4 =	sld [smem:$0x3FAC]  }
0x2a: {  	p0 =	seq.s32 s5, $0x0;
	s5 =	sld [smem:$0x3FAD]  }
0x2b: {  	s6 =	sld [smem:$0x3FAE]  }
0x2c: {  	s7 =	sld [smem:$0x3FAF]  }
0x2d: {  	s3 =	simm.s32 $0x108;
	s8 =	sld [smem:$0x3FB0]  }
0x2e: {  	s3 =	simm.s32 @!p0 $0x1082;
	s9 =	sld [smem:$0x3FB1]  }
0x2f: {  	lr =	sadd.s32 s0, s3;
	s0 =	sld [smem:$0x3FA8]  }
0x30: {  	s3 =	sld [smem:$0x3FAB]  }
0x31: {  	[smem:$0x3FB4] =	sst s10  }
0x32: {  	s10 =	sld [smem:$0x3FB2];
	_ =	sdelay $0x3  }
0x33: {  	p0 =	seq.s32 s10, $0x1;
	s10 =	sld [smem:$0x3FB4];
	_ =	sdelay $0x3  }
0x34: {  	[smem:$0x3FB4] =	sst s10  }
0x35: {  	s10 =	sld [smem:$0x3FB3];
	_ =	sdelay $0x3  }
0x36: {  	p1 =	seq.s32 s10, $0x1;
	s10 =	sld [smem:$0x3FB4];
	_ =	sdelay $0x3  }
0x37: {  	[smem:$0x3FB4] =	sst s10  }
0x38: {  	s10 =	sld [smem:$0x3FB5]  }
0x39: {  	_ = 	snop;
	(pc) =	sbr.ind lr, $3  }
0x3a: {  	_ = 	snop  }
0x3b: {  	_ = 	snop  }
0x3c: {  	p2 =	seq.s32 s10, $0x1;
	s10 =	sld [smem:$0x3FB4]  }
0x3d: {  	_ =	shalt  }
0x3e: {  	_ =	shalt  }
0x3f: {  	_ =	shalt  }
0x40: {  	_ =	shalt  }
0x41: {  	_ =	shalt  }
0x42: {  	_ =	shalt  }
0x43: {  	_ =	shalt  }
0x44: {  	_ =	shalt  }
0x45: {  	_ =	shalt  }
0x46: {  	_ =	shalt  }
0x47: {  	_ =	shalt  }
0x48: {  	_ =	shalt  }
0x49: {  	_ =	shalt  }
0x4a: {  	_ =	shalt  }
0x4b: {  	_ =	shalt  }
0x4c: {  	_ =	shalt  }
0x4d: {  	_ =	shalt  }
0x4e: {  	_ =	shalt  }
0x4f: {  	_ =	shalt  }
0x50: {  	_ =	shalt  }
0x51: {  	_ =	shalt  }
0x52: {  	_ =	shalt  }
0x53: {  	_ =	shalt  }
0x54: {  	_ =	shalt  }
0x55: {  	_ =	shalt  }
0x56: {  	_ =	shalt  }
0x57: {  	_ =	shalt  }
0x58: {  	_ =	shalt  }
0x59: {  	_ =	shalt  }
0x5a: {  	_ =	shalt  }
0x5b: {  	_ =	shalt  }
0x5c: {  	_ =	shalt  }
0x5d: {  	_ =	shalt  }
0x5e: {  	_ =	shalt  }
0x5f: {  	_ =	shalt  }
0x60: {  	_ =	shalt  }
0x61: {  	_ =	shalt  }
0x62: {  	_ =	shalt  }
0x63: {  	_ =	shalt  }
0x64: {  	_ =	shalt  }
0x65: {  	_ =	shalt  }
0x66: {  	_ =	shalt  }
0x67: {  	_ =	shalt  }
0x68: {  	_ =	shalt  }
0x69: {  	_ =	shalt  }
0x6a: {  	_ =	shalt  }
0x6b: {  	_ =	shalt  }
0x6c: {  	_ =	shalt  }
0x6d: {  	_ =	shalt  }
0x6e: {  	_ =	shalt  }
0x6f: {  	_ =	shalt  }
0x70: {  	_ =	shalt  }
0x71: {  	_ =	shalt  }
0x72: {  	_ =	shalt  }
0x73: {  	_ =	shalt  }
0x74: {  	_ =	shalt  }
0x75: {  	_ =	shalt  }
0x76: {  	_ =	shalt  }
0x77: {  	_ =	shalt  }
0x78: {  	_ =	shalt  }
0x79: {  	_ =	shalt  }
0x7a: {  	_ =	shalt  }
0x7b: {  	_ =	shalt  }
0x7c: {  	_ =	shalt  }
0x7d: {  	_ =	shalt  }
0x7e: {  	_ =	shalt  }
0x7f: {  	_ =	shalt  }
0x80: {  	_ =	shalt  }
0x81: {  	_ =	shalt  }
0x82: {  	_ =	shalt  }
0x83: {  	_ =	shalt  }
0x84: {  	_ =	shalt  }
0x85: {  	_ =	shalt  }
0x86: {  	_ =	shalt  }
0x87: {  	_ =	shalt  }
.Lfunc_end0:
.L_simem_size_0:
called_computation_lowered:
.L_overlay_start_0:
0x88: {  	s2 =	sld [smem:$0x3FD9]  }
0x89: {  	s3 =	sld [smem:$0x3FFE];
	_ =	sdelay $0x1  }
0x8a: {  	s1 =	srdreg.scid  }
0x8b: {  	s0 =	sand.u32 $0x1, s1  }
0x8c: {  	s17 =	sshll.u32 s0, $0xA;
	s2 =	sadd.s32 s3, s2  }
0x8d: {  	s2 =	sadd.s32 s2, s17  }
0x8e: {  	[smem:$0x3FC0] =	sst s2  }
0x8f: {  	_ = 	snop  }
0x90: {  	s2 =	sld [smem:$0x3FC9];
	(tm) =	ssettm $0x1  }
0x91: {  	s18 =	sld [smem:$0x3FFB];
	_ =	sdelay $0x3  }
0x92: {  	_ =	strace s18  }
0x93: {  	s3 =	sld [smem:$0x3FFC];
	_ =	sdelay $0x3  }
0x94: {  	_ =	strace s3  }
0x95: {  	s3 =	sld [smem:$0x3FFD];
	_ =	sdelay $0x3  }
0x96: {  	_ =	strace s3  }
0x97: {  	_ =	strace $0x8FFFFFFF  }
0x98: {  	s19 =	sld [smem:$0x3FDB];
	_ =	sdelay $0x1  }
0x99: {  	s4 =	simm.s32 $_scs_section_size  }
0x9a: {  	s5 =	simm.s32 $_size__tile_overlayer_lowered;
	s6 =	simm.s32 $_tile_overlayer_lowered  }
0x9b: {  	s22 =	simm.s32 $0x1BFF;
	s21 =	sshll.u32 s6, $0x1;
	s3 =	sadd.s32 s4, s19  }
0x9c: {  	s7 =	simm.s32 $0x0;
	s20 =	sshll.u32 s5, $0x1;
	s5 =	sadd.s32 s21, s3  }
0x9d: {  	[timem:s7], [sflag:s22] =	dma.local [hbm:s5], s20  }
0x9e: {  	_ =	swait.ge [sflag:s22], s20  }
0x9f: {  	s4 =	ssub.s32 $0x0, s20;
	[sflag:s22] =	ssyncset.done $0x0  }
0xa0: {  	[sflag:s22] =	ssyncadd.s32 s4;
	_ =	sdelay $0x1  }
0xa1: {  	s23 =	simm.s32 $0x1B8B  }
0xa2: {  	_ =	swait.ge [sflag:s23], $0x1  }
0xa3: {  	[sflag:s23] =	ssyncset.done $0x0  }
0xa4: {  	s25 =	simm.s32 $0x1B8E;
	s24 =	sld [smem:$0x3FFE];
	[sflag:s23] =	ssyncadd.s32 $0xFFFFFFFF  }
0xa5: {  	s26 =	simm.s32 $execute0_lowered;
	[smem:$0x3FD2] =	sst s25  }
0xa6: {  	s5 =	sshll.u32 s26, $0x1;
	_ =	strace $0x80000046;
	[dreg:$0x1] =	wrdreg $0xFFFFFFFF  }
0xa7: {  	s28 =	simm.s32 $_size_execute0_lowered;
	s3 =	sadd.s32 s3, s5;
	[dreg:$0x0] =	wrdreg $0x0  }
0xa8: {  	s5 =	sshll.u32 s28, $0x1;
	[dreg:$0x2] =	wrdreg s3  }
0xa9: {  	[dreg:$0x3] =	wrdreg s5  }
0xaa: {  	[dreg:$0x4] =	wrdreg $0xC0  }
0xab: {  	_ =	task [dreg:s7], $0x5FFFF  }
0xac: {  	[dreg:$0x1] =	wrdreg $0xFFFFFFFF  }
0xad: {  	[dreg:$0x0] =	wrdreg $0x60  }
0xae: {  	[dreg:$0x2] =	wrdreg s2  }
0xaf: {  	[dreg:$0x3] =	wrdreg s24  }
0xb0: {  	[dreg:$0x4] =	wrdreg $0x9  }
0xb1: {  	_ =	task.clear_ibuf [dreg:s7], $0x5FFFF;
	_ =	strace $0x90000046  }
0xb2: {  	s29 =	simm.s32 $0x9;
	_ =	strace $0x80000048  }
0xb3: {  	_ =	swait.ge [sflag:s29], $0x1  }
0xb4: {  	[sflag:s29] =	ssyncadd.s32 $0xFFFFFFFF  }
0xb5: {  	_ =	strace $0x90000048  }
0xb6: {  	_ =	sfence  }
0xb7: {  	s30 =	sld [smem:$0x0];
	_ =	sdelay $0x2  }
0xb8: {  	s31 =	sshll.u32 s1, $0xD;
	s1 =	sshrl.u32 s1, $0x2  }
0xb9: {  	s3 =	sand.u32 $0x4000, s31;
	s1 =	sadd.s32 s1, s30  }
0xba: {  	s0 =	sor.u32 s3, s0;
	s1 =	sshll.u32 s1, $0x11  }
0xbb: {  	s0 =	sor.u32 s1, s0  }
0xbc: {  	s0 =	sadd.s32 $0x8F2B, s0  }
0xbd: {  	[sflag:s0] =	ssyncadd.remote.s32 $0x1  }
0xbe: {  	_ =	sfence.sel $0xFFFF  }
0xbf: {  	[dreg:$0x0] =	wrdreg $0xFFFFFFFF;
	(pc) =	sbr.abs _section_cstart, $3  }
0xc0: {  	[dreg:$0x1] =	wrdreg $0xFFFFFFFF  }
0xc1: {  	_ =	task.clear_ibuf [dreg:s7], $0x2FFFF;
	_ =	strace $0x9FFFFFFF  }
0xc2: {  	(tm) =	ssettm $0x7FFFFFFF  }
0xc3: {  	_ =	shalt  }
tec
execute0_lowered:
.L_overlay_start_1:
0x0: {  	(tag) =	ssettag $0x1  }
0x1: {  	s0 =	rddreg [dreg:$0x0]  }
0x2: {  	s1 =	rddreg [dreg:$0x1];
	s2 =	simm.s32 $0x0;
	s3 =	srdreg.scid  }
0x3: {  	s4 =	stileid.u32;
	s14 =	simm.s32 $0x680;
	s28 =	simm.s32 $0xE80  }
0x4: {  	s9 =	simm.s32 $0x3E80;
	s10 =	simm.s32 $0x4680;
	s11 =	simm.s32 $0x4E80  }
0x5: {  	s12 =	simm.s32 $0x5680;
	s13 =	simm.s32 $0x5E80;
	s15 =	simm.s32 $0x6E80  }
0x6: {  	s29 =	simm.s32 $0xB680;
	[smem:$0x7FF] =	sst s2;
	s3 =	sand.u32 $0x1, s3  }
0x7: {  	s5 =	sshll.u32 s4, $0x1;
	s18 =	sadd.s32 $0x1E00, s1;
	s4 =	sadd.s32 $0x2A00, s1  }
0x8: {  	s19 =	sadd.s32 $0x2400, s1;
	s8 =	sadd.s32 $0x2800, s1;
	s16 =	sadd.s32 $0x2B00, s1  }
0x9: {  	s17 =	sadd.s32 $0x2C00, s1;
	_ =	strace $0x80000047;
	[dreg:$0x3] =	wrdreg s18  }
0xa: {  	s6 =	sor.u32 s3, s5;
	[dreg:$0xe] =	wrdreg s19;
	s3 =	ssub.s32 $0x2, s3  }
0xb: {  	[dreg:$0x4] =	wrdreg s8;
	s7 =	sshll.u32 s6, $0x3;
	s31 =	sshll.u32 s6, $0xD  }
0xc: {  	s18 =	sadd.s32 $0x2D00, s1;
	s7 =	sadd.s32 s7, s1;
	s0 =	sadd.s32 s0, s31  }
0xd: {  	s8 =	simm.s32 $0x3680;
	s21 =	sadd.s32 $0x1600, s7;
	[dreg:$0xd] =	wrdreg s0  }
0xe: {  	v0 =	vimm.s32 $0x7;
	v1 =	vlaneseq.u32;
	s19 =	simm.s32 $0xC680;
	s22 =	sadd.s32 $0x1800, s7;
	[dreg:$0x5] =	wrdreg s21  }
0xf: {  	v2 =	vimm.s32 $0x1;
	vm0 =	vmmov $0x3;
	v3 =	vimm.s32 $0x2;
	s20 =	sshrl.u32 s3, $0x1;
	s23 =	sadd.s32 $0x2200, s7;
	[dreg:$0x6] =	wrdreg s22  }
0x10: {  	vm1 =	vmmov $0x7;
	v4 =	vimm.s32 $0x3;
	vm2 =	vmmov $0xf;
	p0 =	sne.s32 s6, $0x0;
	s24 =	sadd.s32 $0x2000, s7;
	[dreg:$0x7] =	wrdreg s23  }
0x11: {  	v5 =	vimm.s32 $0x4;
	vm3 =	vmmov $0x1f;
	v6 =	vimm.s32 $0x5;
	s3 =	ssub.s32 s3, s20;
	s25 =	sadd.s32 $0x1A00, s7;
	[dreg:$0x8] =	wrdreg s24  }
.Ltmp0:
0x12: {  	vm4 =	vmmov $0x3f;
	v7 =	vimm.s32 $0x6;
	vm5 =	vmmov $0x7f;
	s26 =	sadd.s32 $0x1C00, s7;
	[dreg:$0x9] =	wrdreg s25;
	(pc) =	sbr.rel .LBB2_1-.Ltmp0, $4  }
0x13: {  	vm6 =	vmmov $0xff;
	v8 =	vimm.s32 $0x0;
	vm7 =	vmmov $0xffff;
	s20 =	simm.s32 $0x5;
	s30 =	sadd.s32 $0x9EA00, s7;
	[dreg:$0xa] =	wrdreg s26  }
0x14: {  	v9 =	vadd.s32 $0x1, v1;
	v10 =	vor.u32 $0x10, v1;
	v11 =	vadd.s32 $0x11, v1;
	s7 =	sadd.s32 $0x9EC00, s7;
	s3 =	smax.u32 s3, $0x1;
	[dreg:$0xb] =	wrdreg s30  }
0x15: {  	v12 =	vor.u32 $0x20, v1;
	v13 =	vadd.s32 $0x21, v1;
	v15 =	vshrl.u32 v1, $0x3;
	[dreg:$0xc] =	wrdreg s7;
	s26 =	simm.s32 $0x1E80;
	s7 =	simm.s32 $0x2E80  }
0x16: {  	v14 =	vand.u32 $0x7, v1;
	v16 =	vor.u32 $0x8, v1;
	v15 =	vmul.u32 $0x8, v15;
	s24 =	simm.s32 $0x7680;
	s25 =	simm.s32 $0x7E80;
	s22 =	simm.s32 $0x8E80  }
.LBB2_3:
0x17: {  	s30 =	rddreg [dreg:$0xd]  }
0x18: {  	[tilespmem:s14], [sflag:$0x5] =	stream.linear.gather [hbm4b:s30+s2], $0x10000, $0x38;
	[tilespmem:$0x10680] =	vst v63  }
0x19: {  	_ =	swait.ge [sflag:s20], $0x10000  }
0x1a: {  	[sflag:s20] =	ssyncset.done $0x0  }
0x1b: {  	[sflag:s20] =	ssyncadd.s32 $0xFFFF0000  }
0x1c: {  	v17 =	vld [tilespmem:$0x500];
	_ =	sdelay $0x4  }
0x1d: {  	v18 =	vshll.u32 v17, $0x3  }
0x1e: {  	v17 =	vand.u32 $0x7, v17;
	v18 =	vand.u32 $0xFFFFFFC0, v18  }
0x1f: {  	v17 =	vor.u32 v17, v18  }
0x20: {  	v18 =	vperm.xlane v17, v14;
	_ =	sdelay $0x1  }
0x21: {  	v18 =	vadd.s32 v15, v18;
	_ =	sdelay $0x4  }
0x22: {  	[hbm4b:s4+s2] =	stream.indirect_vreg.scatter [tilespmem:s14], [sflag:$0x1], $0x80, v18, vm7, $0xb8;
	[tilespmem:$0x10680] =	vst v63  }
0x23: {  	v17 =	vperm.xlane v17, v16  }
0x24: {  	[hbm4b:s16+s2] =	stream.indirect_vreg.scatter [tilespmem:s28], [sflag:$0x1], $0x80, v18, vm7, $0xb8;
	[tilespmem:$0x10680] =	vst v63  }
0x25: {  	s30 =	simm.s32 $0x1680;
	v17 =	vadd.s32 v15, v17  }
0x26: {  	[hbm4b:s17+s2] =	stream.indirect_vreg.scatter [tilespmem:s30], [sflag:$0x1], $0x80, v18, vm7, $0xb8;
	[tilespmem:$0x10680] =	vst v63  }
0x27: {  	_ = 	snop  }
0x28: {  	[hbm4b:s18+s2] =	stream.indirect_vreg.scatter [tilespmem:s26], [sflag:$0x1], $0x80, v18, vm7, $0xb8;
	[tilespmem:$0x10680] =	vst v63  }
0x29: {  	s0 =	simm.s32 $0x2680  }
0x2a: {  	[hbm4b:s4+s2] =	stream.indirect_vreg.scatter [tilespmem:s0], [sflag:$0x1], $0x80, v17, vm7, $0xb8;
	[tilespmem:$0x10680] =	vst v63  }
0x2b: {  	_ = 	snop  }
0x2c: {  	[hbm4b:s16+s2] =	stream.indirect_vreg.scatter [tilespmem:s7], [sflag:$0x1], $0x80, v17, vm7, $0xb8;
	[tilespmem:$0x10680] =	vst v63  }
0x2d: {  	_ = 	snop  }
0x2e: {  	[hbm4b:s17+s2] =	stream.indirect_vreg.scatter [tilespmem:s8], [sflag:$0x1], $0x80, v17, vm7, $0xb8;
	[tilespmem:$0x10680] =	vst v63  }
0x2f: {  	_ = 	snop  }
0x30: {  	[hbm4b:s18+s2] =	stream.indirect_vreg.scatter [tilespmem:s9], [sflag:$0x1], $0x80, v17, vm7, $0xb8;
	[tilespmem:$0x10680] =	vst v63  }
0x31: {  	v17 =	vld [tilespmem:$0x510];
	_ =	sdelay $0x4  }
0x32: {  	v18 =	vshll.u32 v17, $0x3  }
0x33: {  	v17 =	vand.u32 $0x7, v17;
	v18 =	vand.u32 $0xFFFFFFC0, v18  }
0x34: {  	v17 =	vor.u32 v17, v18  }
0x35: {  	v18 =	vperm.xlane v17, v14;
	_ =	sdelay $0x1  }
0x36: {  	v18 =	vadd.s32 v15, v18;
	_ =	sdelay $0x4  }
0x37: {  	[hbm4b:s4+s2] =	stream.indirect_vreg.scatter [tilespmem:s10], [sflag:$0x1], $0x80, v18, vm7, $0xb8;
	[tilespmem:$0x10680] =	vst v63  }
0x38: {  	v17 =	vperm.xlane v17, v16  }
0x39: {  	[hbm4b:s16+s2] =	stream.indirect_vreg.scatter [tilespmem:s11], [sflag:$0x1], $0x80, v18, vm7, $0xb8;
	[tilespmem:$0x10680] =	vst v63  }
0x3a: {  	v17 =	vadd.s32 v15, v17  }
0x3b: {  	[hbm4b:s17+s2] =	stream.indirect_vreg.scatter [tilespmem:s12], [sflag:$0x1], $0x80, v18, vm7, $0xb8;
	[tilespmem:$0x10680] =	vst v63  }
0x3c: {  	_ = 	snop  }
0x3d: {  	[hbm4b:s18+s2] =	stream.indirect_vreg.scatter [tilespmem:s13], [sflag:$0x1], $0x80, v18, vm7, $0xb8;
	[tilespmem:$0x10680] =	vst v63  }
0x3e: {  	s1 =	simm.s32 $0x6680  }
0x3f: {  	[hbm4b:s4+s2] =	stream.indirect_vreg.scatter [tilespmem:s1], [sflag:$0x1], $0x80, v17, vm7, $0xb8;
	[tilespmem:$0x10680] =	vst v63  }
0x40: {  	_ = 	snop  }
0x41: {  	[hbm4b:s16+s2] =	stream.indirect_vreg.scatter [tilespmem:s15], [sflag:$0x1], $0x80, v17, vm7, $0xb8;
	[tilespmem:$0x10680] =	vst v63  }
0x42: {  	_ = 	snop  }
0x43: {  	[hbm4b:s17+s2] =	stream.indirect_vreg.scatter [tilespmem:s24], [sflag:$0x1], $0x80, v17, vm7, $0xb8;
	[tilespmem:$0x10680] =	vst v63  }
0x44: {  	_ = 	snop  }
0x45: {  	[hbm4b:s18+s2] =	stream.indirect_vreg.scatter [tilespmem:s25], [sflag:$0x1], $0x80, v17, vm7, $0xb8;
	[tilespmem:$0x10680] =	vst v63  }
0x46: {  	v17 =	vld [tilespmem:$0x520];
	_ =	sdelay $0x4  }
0x47: {  	v18 =	vshll.u32 v17, $0x3  }
0x48: {  	v17 =	vand.u32 $0x7, v17;
	v18 =	vand.u32 $0xFFFFFFC0, v18  }
0x49: {  	v17 =	vor.u32 v17, v18  }
0x4a: {  	v18 =	vperm.xlane v17, v14;
	_ =	sdelay $0x1  }
0x4b: {  	v18 =	vadd.s32 v15, v18;
	_ =	sdelay $0x3  }
0x4c: {  	s6 =	simm.s32 $0x8680  }
0x4d: {  	[hbm4b:s4+s2] =	stream.indirect_vreg.scatter [tilespmem:s6], [sflag:$0x1], $0x80, v18, vm7, $0xb8;
	[tilespmem:$0x10680] =	vst v63  }
0x4e: {  	v17 =	vperm.xlane v17, v16  }
0x4f: {  	[hbm4b:s16+s2] =	stream.indirect_vreg.scatter [tilespmem:s22], [sflag:$0x1], $0x80, v18, vm7, $0xb8;
	[tilespmem:$0x10680] =	vst v63  }
0x50: {  	s5 =	simm.s32 $0x9680;
	v17 =	vadd.s32 v15, v17  }
0x51: {  	[hbm4b:s17+s2] =	stream.indirect_vreg.scatter [tilespmem:s5], [sflag:$0x1], $0x80, v18, vm7, $0xb8;
	[tilespmem:$0x10680] =	vst v63  }
0x52: {  	s31 =	simm.s32 $0x9E80  }
0x53: {  	[hbm4b:s18+s2] =	stream.indirect_vreg.scatter [tilespmem:s31], [sflag:$0x1], $0x80, v18, vm7, $0xb8;
	[tilespmem:$0x10680] =	vst v63  }
0x54: {  	s21 =	simm.s32 $0xA680  }
0x55: {  	[hbm4b:s4+s2] =	stream.indirect_vreg.scatter [tilespmem:s21], [sflag:$0x1], $0x80, v17, vm7, $0xb8;
	[tilespmem:$0x10680] =	vst v63  }
0x56: {  	s23 =	simm.s32 $0xAE80  }
0x57: {  	[hbm4b:s16+s2] =	stream.indirect_vreg.scatter [tilespmem:s23], [sflag:$0x1], $0x80, v17, vm7, $0xb8;
	[tilespmem:$0x10680] =	vst v63  }
0x58: {  	_ = 	snop  }
0x59: {  	[hbm4b:s17+s2] =	stream.indirect_vreg.scatter [tilespmem:s29], [sflag:$0x1], $0x80, v17, vm7, $0xb8;
	[tilespmem:$0x10680] =	vst v63  }
0x5a: {  	s0 =	simm.s32 $0xBE80  }
0x5b: {  	[hbm4b:s18+s2] =	stream.indirect_vreg.scatter [tilespmem:s0], [sflag:$0x1], $0x80, v17, vm7, $0xb8;
	[tilespmem:$0x10680] =	vst v63  }
0x5c: {  	v17 =	vld [tilespmem:$0x530];
	_ =	sdelay $0x4  }
0x5d: {  	v18 =	vshll.u32 v17, $0x3  }
0x5e: {  	v17 =	vand.u32 $0x7, v17;
	v18 =	vand.u32 $0xFFFFFFC0, v18  }
0x5f: {  	v17 =	vor.u32 v17, v18  }
0x60: {  	v18 =	vperm.xlane v17, v14;
	_ =	sdelay $0x1  }
0x61: {  	v18 =	vadd.s32 v15, v18;
	_ =	sdelay $0x4  }
0x62: {  	[hbm4b:s4+s2] =	stream.indirect_vreg.scatter [tilespmem:s19], [sflag:$0x1], $0x80, v18, vm7, $0xb8;
	[tilespmem:$0x10680] =	vst v63  }
0x63: {  	s0 =	simm.s32 $0xCE80;
	v17 =	vperm.xlane v17, v16  }
0x64: {  	[hbm4b:s16+s2] =	stream.indirect_vreg.scatter [tilespmem:s0], [sflag:$0x1], $0x80, v18, vm7, $0xb8;
	[tilespmem:$0x10680] =	vst v63  }
0x65: {  	v17 =	vadd.s32 v15, v17;
	s0 =	simm.s32 $0xD680  }
0x66: {  	[hbm4b:s17+s2] =	stream.indirect_vreg.scatter [tilespmem:s0], [sflag:$0x1], $0x80, v18, vm7, $0xb8;
	[tilespmem:$0x10680] =	vst v63  }
0x67: {  	s0 =	simm.s32 $0xDE80  }
0x68: {  	[hbm4b:s18+s2] =	stream.indirect_vreg.scatter [tilespmem:s0], [sflag:$0x1], $0x80, v18, vm7, $0xb8;
	[tilespmem:$0x10680] =	vst v63  }
0x69: {  	s0 =	simm.s32 $0xE680  }
0x6a: {  	[hbm4b:s4+s2] =	stream.indirect_vreg.scatter [tilespmem:s0], [sflag:$0x1], $0x80, v17, vm7, $0xb8;
	[tilespmem:$0x10680] =	vst v63  }
0x6b: {  	s0 =	simm.s32 $0xEE80  }
0x6c: {  	[hbm4b:s16+s2] =	stream.indirect_vreg.scatter [tilespmem:s0], [sflag:$0x1], $0x80, v17, vm7, $0xb8;
	[tilespmem:$0x10680] =	vst v63  }
0x6d: {  	s0 =	simm.s32 $0xF680  }
0x6e: {  	[hbm4b:s17+s2] =	stream.indirect_vreg.scatter [tilespmem:s0], [sflag:$0x1], $0x80, v17, vm7, $0xb8;
	[tilespmem:$0x10680] =	vst v63  }
0x6f: {  	s0 =	simm.s32 $0xFE80  }
0x70: {  	[hbm4b:s18+s2] =	stream.indirect_vreg.scatter [tilespmem:s0], [sflag:$0x1], $0x80, v17, vm7, $0xb8;
	[tilespmem:$0x10680] =	vst v63  }
0x71: {  	v17 =	vld [tilespmem:$0x580];
	_ =	sdelay $0x4  }
0x72: {  	v18 =	vshll.u32 v17, $0x3  }
0x73: {  	v17 =	vand.u32 $0x7, v17;
	v18 =	vand.u32 $0xFFFFFFC0, v18  }
0x74: {  	v17 =	vor.u32 v17, v18  }
0x75: {  	v18 =	vperm.xlane v17, v14;
	_ =	sdelay $0x1  }
0x76: {  	v18 =	vadd.s32 v15, v18;
	_ =	sdelay $0x4  }
0x77: {  	[hbm4b:s4+s2] =	stream.indirect_vreg.scatter [tilespmem:s14], [sflag:$0x2], $0x80, v18, vm7, $0xb8;
	[tilespmem:$0x10680] =	vst v63  }
0x78: {  	v17 =	vperm.xlane v17, v16  }
0x79: {  	[hbm4b:s16+s2] =	stream.indirect_vreg.scatter [tilespmem:s28], [sflag:$0x2], $0x80, v18, vm7, $0xb8;
	[tilespmem:$0x10680] =	vst v63  }
0x7a: {  	v17 =	vadd.s32 v15, v17  }
0x7b: {  	[hbm4b:s17+s2] =	stream.indirect_vreg.scatter [tilespmem:s30], [sflag:$0x2], $0x80, v18, vm7, $0xb8;
	[tilespmem:$0x10680] =	vst v63  }
0x7c: {  	_ = 	snop  }
0x7d: {  	[hbm4b:s18+s2] =	stream.indirect_vreg.scatter [tilespmem:s26], [sflag:$0x2], $0x80, v18, vm7, $0xb8;
	[tilespmem:$0x10680] =	vst v63  }
0x7e: {  	s30 =	simm.s32 $0x2680  }
0x7f: {  	[hbm4b:s4+s2] =	stream.indirect_vreg.scatter [tilespmem:s30], [sflag:$0x2], $0x80, v17, vm7, $0xb8;
	[tilespmem:$0x10680] =	vst v63  }
0x80: {  	_ = 	snop  }
0x81: {  	[hbm4b:s16+s2] =	stream.indirect_vreg.scatter [tilespmem:s7], [sflag:$0x2], $0x80, v17, vm7, $0xb8;
	[tilespmem:$0x10680] =	vst v63  }
0x82: {  	_ = 	snop  }
0x83: {  	[hbm4b:s17+s2] =	stream.indirect_vreg.scatter [tilespmem:s8], [sflag:$0x2], $0x80, v17, vm7, $0xb8;
	[tilespmem:$0x10680] =	vst v63  }
0x84: {  	_ = 	snop  }
0x85: {  	[hbm4b:s18+s2] =	stream.indirect_vreg.scatter [tilespmem:s9], [sflag:$0x2], $0x80, v17, vm7, $0xb8;
	[tilespmem:$0x10680] =	vst v63  }
0x86: {  	v17 =	vld [tilespmem:$0x590];
	_ =	sdelay $0x4  }
0x87: {  	v18 =	vshll.u32 v17, $0x3  }
0x88: {  	v17 =	vand.u32 $0x7, v17;
	v18 =	vand.u32 $0xFFFFFFC0, v18  }
0x89: {  	v17 =	vor.u32 v17, v18  }
0x8a: {  	v18 =	vperm.xlane v17, v14;
	_ =	sdelay $0x1  }
0x8b: {  	v18 =	vadd.s32 v15, v18;
	_ =	sdelay $0x4  }
0x8c: {  	[hbm4b:s4+s2] =	stream.indirect_vreg.scatter [tilespmem:s10], [sflag:$0x2], $0x80, v18, vm7, $0xb8;
	[tilespmem:$0x10680] =	vst v63  }
0x8d: {  	v17 =	vperm.xlane v17, v16  }
0x8e: {  	[hbm4b:s16+s2] =	stream.indirect_vreg.scatter [tilespmem:s11], [sflag:$0x2], $0x80, v18, vm7, $0xb8;
	[tilespmem:$0x10680] =	vst v63  }
0x8f: {  	v17 =	vadd.s32 v15, v17  }
0x90: {  	[hbm4b:s17+s2] =	stream.indirect_vreg.scatter [tilespmem:s12], [sflag:$0x2], $0x80, v18, vm7, $0xb8;
	[tilespmem:$0x10680] =	vst v63  }
0x91: {  	_ = 	snop  }
0x92: {  	[hbm4b:s18+s2] =	stream.indirect_vreg.scatter [tilespmem:s13], [sflag:$0x2], $0x80, v18, vm7, $0xb8;
	[tilespmem:$0x10680] =	vst v63  }
0x93: {  	_ = 	snop  }
0x94: {  	[hbm4b:s4+s2] =	stream.indirect_vreg.scatter [tilespmem:s1], [sflag:$0x2], $0x80, v17, vm7, $0xb8;
	[tilespmem:$0x10680] =	vst v63  }
0x95: {  	_ = 	snop  }
0x96: {  	[hbm4b:s16+s2] =	stream.indirect_vreg.scatter [tilespmem:s15], [sflag:$0x2], $0x80, v17, vm7, $0xb8;
	[tilespmem:$0x10680] =	vst v63  }
0x97: {  	_ = 	snop  }
0x98: {  	[hbm4b:s17+s2] =	stream.indirect_vreg.scatter [tilespmem:s24], [sflag:$0x2], $0x80, v17, vm7, $0xb8;
	[tilespmem:$0x10680] =	vst v63  }
0x99: {  	_ = 	snop  }
0x9a: {  	[hbm4b:s18+s2] =	stream.indirect_vreg.scatter [tilespmem:s25], [sflag:$0x2], $0x80, v17, vm7, $0xb8;
	[tilespmem:$0x10680] =	vst v63  }
0x9b: {  	v17 =	vld [tilespmem:$0x5A0];
	_ =	sdelay $0x4  }
0x9c: {  	v18 =	vshll.u32 v17, $0x3  }
0x9d: {  	v17 =	vand.u32 $0x7, v17;
	v18 =	vand.u32 $0xFFFFFFC0, v18  }
0x9e: {  	v17 =	vor.u32 v17, v18  }
0x9f: {  	v18 =	vperm.xlane v17, v14;
	_ =	sdelay $0x1  }
0xa0: {  	v18 =	vadd.s32 v15, v18;
	_ =	sdelay $0x4  }
0xa1: {  	[hbm4b:s4+s2] =	stream.indirect_vreg.scatter [tilespmem:s6], [sflag:$0x2], $0x80, v18, vm7, $0xb8;
	[tilespmem:$0x10680] =	vst v63  }
0xa2: {  	v17 =	vperm.xlane v17, v16  }
0xa3: {  	[hbm4b:s16+s2] =	stream.indirect_vreg.scatter [tilespmem:s22], [sflag:$0x2], $0x80, v18, vm7, $0xb8;
	[tilespmem:$0x10680] =	vst v63  }
0xa4: {  	v17 =	vadd.s32 v15, v17  }
0xa5: {  	[hbm4b:s17+s2] =	stream.indirect_vreg.scatter [tilespmem:s5], [sflag:$0x2], $0x80, v18, vm7, $0xb8;
	[tilespmem:$0x10680] =	vst v63  }
0xa6: {  	_ = 	snop  }
0xa7: {  	[hbm4b:s18+s2] =	stream.indirect_vreg.scatter [tilespmem:s31], [sflag:$0x2], $0x80, v18, vm7, $0xb8;
	[tilespmem:$0x10680] =	vst v63  }
0xa8: {  	_ = 	snop  }
0xa9: {  	[hbm4b:s4+s2] =	stream.indirect_vreg.scatter [tilespmem:s21], [sflag:$0x2], $0x80, v17, vm7, $0xb8;
	[tilespmem:$0x10680] =	vst v63  }
0xaa: {  	_ = 	snop  }
0xab: {  	[hbm4b:s16+s2] =	stream.indirect_vreg.scatter [tilespmem:s23], [sflag:$0x2], $0x80, v17, vm7, $0xb8;
	[tilespmem:$0x10680] =	vst v63  }
0xac: {  	_ = 	snop  }
0xad: {  	[hbm4b:s17+s2] =	stream.indirect_vreg.scatter [tilespmem:s29], [sflag:$0x2], $0x80, v17, vm7, $0xb8;
	[tilespmem:$0x10680] =	vst v63  }
0xae: {  	s6 =	simm.s32 $0xBE80  }
0xaf: {  	[hbm4b:s18+s2] =	stream.indirect_vreg.scatter [tilespmem:s6], [sflag:$0x2], $0x80, v17, vm7, $0xb8;
	[tilespmem:$0x10680] =	vst v63  }
0xb0: {  	v17 =	vld [tilespmem:$0x5B0];
	_ =	sdelay $0x4  }
0xb1: {  	v18 =	vshll.u32 v17, $0x3  }
0xb2: {  	v17 =	vand.u32 $0x7, v17;
	v18 =	vand.u32 $0xFFFFFFC0, v18  }
0xb3: {  	v17 =	vor.u32 v17, v18  }
0xb4: {  	v18 =	vperm.xlane v17, v14;
	_ =	sdelay $0x1  }
0xb5: {  	v18 =	vadd.s32 v15, v18;
	_ =	sdelay $0x4  }
0xb6: {  	[hbm4b:s4+s2] =	stream.indirect_vreg.scatter [tilespmem:s19], [sflag:$0x2], $0x80, v18, vm7, $0xb8;
	[tilespmem:$0x10680] =	vst v63  }
0xb7: {  	s21 =	simm.s32 $0xCE80;
	v17 =	vperm.xlane v17, v16  }
0xb8: {  	[hbm4b:s16+s2] =	stream.indirect_vreg.scatter [tilespmem:s21], [sflag:$0x2], $0x80, v18, vm7, $0xb8;
	[tilespmem:$0x10680] =	vst v63  }
0xb9: {  	s23 =	simm.s32 $0xD680;
	v17 =	vadd.s32 v15, v17  }
0xba: {  	[hbm4b:s17+s2] =	stream.indirect_vreg.scatter [tilespmem:s23], [sflag:$0x2], $0x80, v18, vm7, $0xb8;
	[tilespmem:$0x10680] =	vst v63  }
0xbb: {  	s30 =	simm.s32 $0xDE80  }
0xbc: {  	[hbm4b:s18+s2] =	stream.indirect_vreg.scatter [tilespmem:s30], [sflag:$0x2], $0x80, v18, vm7, $0xb8;
	[tilespmem:$0x10680] =	vst v63  }
0xbd: {  	s31 =	simm.s32 $0xE680  }
0xbe: {  	[hbm4b:s4+s2] =	stream.indirect_vreg.scatter [tilespmem:s31], [sflag:$0x2], $0x80, v17, vm7, $0xb8;
	[tilespmem:$0x10680] =	vst v63  }
0xbf: {  	s1 =	simm.s32 $0xEE80  }
0xc0: {  	[hbm4b:s16+s2] =	stream.indirect_vreg.scatter [tilespmem:s1], [sflag:$0x2], $0x80, v17, vm7, $0xb8;
	[tilespmem:$0x10680] =	vst v63  }
0xc1: {  	s5 =	simm.s32 $0xF680  }
0xc2: {  	[hbm4b:s17+s2] =	stream.indirect_vreg.scatter [tilespmem:s5], [sflag:$0x2], $0x80, v17, vm7, $0xb8;
	[tilespmem:$0x10680] =	vst v63  }
0xc3: {  	s0 =	simm.s32 $0x40;
	s6 =	simm.s32 $0xFE80  }
0xc4: {  	[hbm4b:s18+s2] =	stream.indirect_vreg.scatter [tilespmem:s6], [sflag:$0x2], $0x80, v17, vm7, $0xb8;
	[tilespmem:$0x10680] =	vst v63  }
0xc5: {  	s21 =	simm.s32 $0x200;
	s23 =	simm.s32 $0x500;
	s1 =	rddreg [dreg:$0xe]  }
0xc6: {  	[hbm4b:s1+s0] =	stream.indirect.scatter [tilespmem:s21], [sflag:$0x3], $0x1, s23, s0, $0xb8;
	[tilespmem:$0x10680] =	vst v63  }
0xc7: {  	s30 =	simm.s32 $0x580;
	s31 =	simm.s32 $0x280;
	s21 =	simm.s32 $0x1  }
0xc8: {  	[hbm4b:s1+s0] =	stream.indirect.scatter [tilespmem:s31], [sflag:$0x4], $0x1, s30, s0, $0xb8;
	[tilespmem:$0x10680] =	vst v63  }
0xc9: {  	_ =	swait.ge [sflag:s21], $0x10000  }
0xca: {  	[sflag:s21] =	ssyncset.done $0x0  }
0xcb: {  	s23 =	simm.s32 $0x2;
	[sflag:s21] =	ssyncadd.s32 $0xFFFF0000  }
0xcc: {  	_ =	swait.ge [sflag:s23], $0x10000  }
0xcd: {  	[sflag:s23] =	ssyncset.done $0x0  }
0xce: {  	s3 =	sadd.s32 $0xFFFFFFFF, s3;
	s30 =	simm.s32 $0x3;
	[sflag:s23] =	ssyncadd.s32 $0xFFFF0000  }
0xcf: {  	p1 =	sne.s32 s3, $0x0;
	_ =	swait.ge [sflag:s30], $0x40  }
.Ltmp1:
0xd0: {  	[sflag:s30] =	ssyncset.done $0x0;
	(pc) =	sbr.rel @!p1 .LBB2_4-.Ltmp1, $4  }
0xd1: {  	s31 =	simm.s32 $0x4;
	[sflag:s30] =	ssyncadd.s32 $0xFFFFFFC0  }
0xd2: {  	_ =	swait.ge [sflag:s31], $0x40  }
0xd3: {  	[sflag:s31] =	ssyncset.done $0x0  }
0xd4: {  	[sflag:s31] =	ssyncadd.s32 $0xFFFFFFC0  }
.LBB2_1:
0xd5: {  	s30 =	rddreg [dreg:$0x5]  }
0xd6: {  	[tilespmem:s2], [sflag:$0x5] =	stream.linear.gather [hbm4b:s30+s2], $0x40, $0x38;
	[tilespmem:$0x10680] =	vst v63  }
0xd7: {  	_ =	swait.ge [sflag:s20], $0x40  }
0xd8: {  	[sflag:s20] =	ssyncset.done $0x0  }
0xd9: {  	s31 =	simm.s32 $0x80;
	s5 =	rddreg [dreg:$0x6];
	[sflag:s20] =	ssyncadd.s32 $0xFFFFFFC0  }
0xda: {  	[tilespmem:s31], [sflag:$0x5] =	stream.linear.gather [hbm4b:s5+s2], $0x40, $0x38;
	[tilespmem:$0x10680] =	vst v63  }
0xdb: {  	_ =	swait.ge [sflag:s20], $0x40  }
0xdc: {  	[sflag:s20] =	ssyncset.done $0x0  }
0xdd: {  	s21 =	simm.s32 $0x100;
	s6 =	rddreg [dreg:$0x7];
	[sflag:s20] =	ssyncadd.s32 $0xFFFFFFC0  }
0xde: {  	[tilespmem:s21], [sflag:$0x5] =	stream.linear.gather [hbm4b:s6+s2], $0x40, $0x38;
	[tilespmem:$0x10680] =	vst v63  }
0xdf: {  	_ =	swait.ge [sflag:s20], $0x40  }
0xe0: {  	[sflag:s20] =	ssyncset.done $0x0  }
0xe1: {  	s5 =	simm.s32 $0x180;
	s23 =	rddreg [dreg:$0x8];
	[sflag:s20] =	ssyncadd.s32 $0xFFFFFFC0  }
0xe2: {  	[tilespmem:s5], [sflag:$0x5] =	stream.linear.gather [hbm4b:s23+s2], $0x40, $0x38;
	[tilespmem:$0x10680] =	vst v63  }
0xe3: {  	_ =	swait.ge [sflag:s20], $0x40  }
0xe4: {  	[sflag:s20] =	ssyncset.done $0x0  }
0xe5: {  	s5 =	simm.s32 $0x200;
	s6 =	rddreg [dreg:$0x9];
	[sflag:s20] =	ssyncadd.s32 $0xFFFFFFC0  }
0xe6: {  	[tilespmem:s5], [sflag:$0x5] =	stream.linear.gather [hbm4b:s6+s2], $0x40, $0x38;
	[tilespmem:$0x10680] =	vst v63  }
0xe7: {  	_ =	swait.ge [sflag:s20], $0x40  }
0xe8: {  	[sflag:s20] =	ssyncset.done $0x0  }
0xe9: {  	s1 =	simm.s32 $0x280;
	s21 =	rddreg [dreg:$0xa];
	[sflag:s20] =	ssyncadd.s32 $0xFFFFFFC0  }
0xea: {  	[tilespmem:s1], [sflag:$0x5] =	stream.linear.gather [hbm4b:s21+s2], $0x40, $0x38;
	[tilespmem:$0x10680] =	vst v63  }
0xeb: {  	_ =	swait.ge [sflag:s20], $0x40  }
0xec: {  	[sflag:s20] =	ssyncset.done $0x0  }
0xed: {  	s21 =	simm.s32 $0x300;
	s23 =	rddreg [dreg:$0x3];
	[sflag:s20] =	ssyncadd.s32 $0xFFFFFFC0  }
0xee: {  	[tilespmem:s21], [sflag:$0x5] =	stream.linear.gather [hbm4b:s23+s2], $0x80, $0x38;
	[tilespmem:$0x10680] =	vst v63  }
0xef: {  	_ =	swait.ge [sflag:s20], $0x80  }
0xf0: {  	[sflag:s20] =	ssyncset.done $0x0  }
0xf1: {  	[sflag:s20] =	ssyncadd.s32 $0xFFFFFF80  }
0xf2: {  	v17 =	vld [tilespmem:$0x300];
	_ =	sdelay $0x4  }
0xf3: {  	v17 =	vadd.s32 $0x7F, v17  }
0xf4: {  	v17 =	vshra.s32 v17, $0x7  }
0xf5: {  	s6 =	simm.s32 $0x480;
	[tilespmem:$0x480] =	vst v17  }
0xf6: {  	v17 =	vld.msk [tilespmem:s6+$0x0], $0xffff  }
0xf7: {  	v18 =	vld.idx.msk [tilespmem:v2+s6+$0x0], $0xffff  }
0xf8: {  	v19 =	vld.idx.msk [tilespmem:v3+s6+$0x0], $0xffff  }
0xf9: {  	v20 =	vld.idx.msk [tilespmem:v4+s6+$0x0], $0xffff  }
0xfa: {  	v21 =	vld.idx.msk [tilespmem:v5+s6+$0x0], $0xffff  }
0xfb: {  	vm8 =	veq.s32 v1, $0x0;
	v22 =	vld.idx.msk [tilespmem:v6+s6+$0x0], $0xffff  }
0xfc: {  	v23 =	vld.idx.msk [tilespmem:v7+s6+$0x0], $0xffff;
	v17 =	vsel vm8, $0x0, v17;
	v18 =	vsel vm0, $0x0, v18  }
0xfd: {  	v17 =	vadd.s32 v17, v18;
	v18 =	vsel vm1, $0x0, v19;
	v19 =	vld.idx.msk [tilespmem:v0+s6+$0x0], $0xffff  }
0xfe: {  	v63 =	vld [tilespmem:$0x0];
	v17 =	vadd.s32 v18, v17;
	v18 =	vsel vm2, $0x0, v20  }
0xff: {  	v17 =	vadd.s32 v18, v17;
	v18 =	vsel vm3, $0x0, v21  }
0x100: {  	v17 =	vadd.s32 v18, v17;
	v18 =	vsel vm4, $0x0, v22  }
0x101: {  	v17 =	vadd.s32 v18, v17;
	v18 =	vsel vm5, $0x0, v23  }
0x102: {  	v17 =	vadd.s32 v18, v17;
	v18 =	vsel vm6, $0x0, v19  }
0x103: {  	v17 =	vadd.s32 v18, v17  }
0x104: {  	v19 =	vld [tilespmem:$0x100];
	v18 =	vshll.u32 v17, $0x7;
	[tilespmem:$0x400] =	vst v17  }
0x105: {  	s21 =	simm.s32 $0x380;
	[tilespmem:$0x380] =	vst v18;
	v18 =	vld [tilespmem:$0x80]  }
0x106: {  	v17 =	vld.idx.msk [tilespmem:v63+s21+$0x0], $0xffff;
	_ =	sdelay $0x4  }
0x107: {  	v17 =	vadd.s32 v17, v19  }
0x108: {  	[tilespmem:$0x500] =	vst v17  }
0x109: {  	v17 =	vld.idx.msk [tilespmem:v18+s21+$0x0], $0xffff  }
0x10a: {  	v18 =	vld [tilespmem:$0x10]  }
0x10b: {  	v19 =	vld [tilespmem:$0x180];
	_ =	sdelay $0x4  }
0x10c: {  	v17 =	vadd.s32 v17, v19  }
0x10d: {  	[tilespmem:$0x580] =	vst v17  }
0x10e: {  	v17 =	vld.idx.msk [tilespmem:v18+s21+$0x0], $0xffff  }
0x10f: {  	v18 =	vld [tilespmem:$0x90]  }
0x110: {  	v19 =	vld [tilespmem:$0x110];
	_ =	sdelay $0x4  }
0x111: {  	v17 =	vadd.s32 v17, v19  }
0x112: {  	[tilespmem:$0x510] =	vst v17  }
0x113: {  	v17 =	vld.idx.msk [tilespmem:v18+s21+$0x0], $0xffff  }
0x114: {  	v18 =	vld [tilespmem:$0x20]  }
0x115: {  	v19 =	vld [tilespmem:$0x190];
	_ =	sdelay $0x4  }
0x116: {  	v17 =	vadd.s32 v17, v19  }
0x117: {  	[tilespmem:$0x590] =	vst v17  }
0x118: {  	v17 =	vld.idx.msk [tilespmem:v18+s21+$0x0], $0xffff  }
0x119: {  	v18 =	vld [tilespmem:$0xA0]  }
0x11a: {  	v19 =	vld [tilespmem:$0x120];
	_ =	sdelay $0x4  }
0x11b: {  	v17 =	vadd.s32 v17, v19  }
0x11c: {  	[tilespmem:$0x520] =	vst v17  }
0x11d: {  	v17 =	vld.idx.msk [tilespmem:v18+s21+$0x0], $0xffff  }
0x11e: {  	v18 =	vld [tilespmem:$0x30]  }
0x11f: {  	v19 =	vld [tilespmem:$0x1A0];
	_ =	sdelay $0x4  }
0x120: {  	v17 =	vadd.s32 v17, v19  }
0x121: {  	[tilespmem:$0x5A0] =	vst v17  }
0x122: {  	v17 =	vld.idx.msk [tilespmem:v18+s21+$0x0], $0xffff  }
0x123: {  	v18 =	vld [tilespmem:$0xB0]  }
0x124: {  	v19 =	vld [tilespmem:$0x130];
	_ =	sdelay $0x4  }
0x125: {  	v17 =	vadd.s32 v17, v19  }
0x126: {  	[tilespmem:$0x530] =	vst v17  }
0x127: {  	v17 =	vld.idx.msk [tilespmem:v18+s21+$0x0], $0xffff  }
0x128: {  	v18 =	vld [tilespmem:$0x1B0];
	_ =	sdelay $0x4  }
0x129: {  	v17 =	vadd.s32 v17, v18  }
0x12a: {  	s31 =	simm.s32 $0x500;
	s23 =	rddreg [dreg:$0xb];
	[tilespmem:$0x5B0] =	vst v17  }
0x12b: {  	[hbm4b:s23+s2] =	stream.linear.scatter [tilespmem:s31], [sflag:$0x5], $0x40, $0x38;
	[tilespmem:$0x10680] =	vst v63  }
0x12c: {  	_ =	swait.ge [sflag:s20], $0x40  }
0x12d: {  	s0 =	simm.s32 $0x580;
	[sflag:s20] =	ssyncset.done $0x0  }
.Ltmp2:
0x12e: {  	s31 =	rddreg [dreg:$0xc];
	[sflag:s20] =	ssyncadd.s32 $0xFFFFFFC0;
	(pc) =	sbr.rel @p0 .LBB2_3-.Ltmp2, $4  }
0x12f: {  	[hbm4b:s31+s2] =	stream.linear.scatter [tilespmem:s0], [sflag:$0x5], $0x40, $0x38;
	[tilespmem:$0x10680] =	vst v63  }
0x130: {  	_ =	swait.ge [sflag:s20], $0x40  }
0x131: {  	[sflag:s20] =	ssyncset.done $0x0  }
0x132: {  	[sflag:s20] =	ssyncadd.s32 $0xFFFFFFC0  }
0x133: {  	_ =	sdelay $0x1  }
0x134: {  	s0 =	simm.s32 $0x400  }
0x135: {  	v17 =	vld.msk [tilespmem:s0+$0x0], $0xffff  }
0x136: {  	v18 =	vld.idx.msk [tilespmem:v2+s0+$0x0], $0xffff  }
0x137: {  	v19 =	vld.idx.msk [tilespmem:v3+s0+$0x0], $0xffff  }
0x138: {  	v20 =	vld.idx.msk [tilespmem:v4+s0+$0x0], $0xffff  }
0x139: {  	v21 =	vld.idx.msk [tilespmem:v5+s0+$0x0], $0xffff  }
0x13a: {  	v22 =	vld.idx.msk [tilespmem:v6+s0+$0x0], $0xffff  }
0x13b: {  	vm8 =	vgt.s32 v17, v1;
	vm9 =	vlt.s32 v18, v9;
	v17 =	vld.idx.msk [tilespmem:v7+s0+$0x0], $0xffff  }
0x13c: {  	v18 =	vsel vm8, $0xFFFFFFFF, v8;
	v23 =	vsel vm9, $0x1, v8;
	vm8 =	vlt.s32 v19, v9;
	v19 =	vld.idx.msk [tilespmem:v0+s0+$0x0], $0xffff  }
0x13d: {  	v18 =	vadd.s32 v18, v23;
	v47 =	vsel vm8, $0x1, v8;
	vm8 =	vlt.s32 v20, v9  }
0x13e: {  	v18 =	vadd.s32 v47, v18;
	v20 =	vsel vm8, $0x1, v8;
	vm8 =	vlt.s32 v21, v9  }
0x13f: {  	v18 =	vadd.s32 v20, v18;
	v48 =	vsel vm8, $0x1, v8;
	vm8 =	vlt.s32 v22, v9  }
0x140: {  	v18 =	vadd.s32 v48, v18;
	v49 =	vsel vm8, $0x1, v8;
	vm8 =	vlt.s32 v17, v9  }
0x141: {  	v17 =	vadd.s32 v49, v18;
	v18 =	vsel vm8, $0x1, v8;
	vm8 =	vlt.s32 v19, v9  }
0x142: {  	v17 =	vadd.s32 v18, v17;
	v18 =	vsel vm8, $0x1, v8  }
0x143: {  	v17 =	vadd.s32 v18, v17  }
0x144: {  	[tilespmem:$0x600] =	vst v17  }
0x145: {  	v17 =	vld.msk [tilespmem:s0+$0x0], $0xffff  }
0x146: {  	v18 =	vld.idx.msk [tilespmem:v2+s0+$0x0], $0xffff  }
0x147: {  	v19 =	vld.idx.msk [tilespmem:v3+s0+$0x0], $0xffff  }
0x148: {  	v50 =	vld.idx.msk [tilespmem:v4+s0+$0x0], $0xffff  }
0x149: {  	v51 =	vld.idx.msk [tilespmem:v5+s0+$0x0], $0xffff  }
0x14a: {  	v52 =	vld.idx.msk [tilespmem:v6+s0+$0x0], $0xffff  }
0x14b: {  	vm8 =	vgt.s32 v17, v10;
	vm14 =	vlt.s32 v18, v11;
	v17 =	vld.idx.msk [tilespmem:v7+s0+$0x0], $0xffff  }
0x14c: {  	v18 =	vsel vm8, $0xFFFFFFFF, v8;
	v53 =	vsel vm14, $0x1, v8;
	vm8 =	vlt.s32 v19, v11;
	v19 =	vld.idx.msk [tilespmem:v0+s0+$0x0], $0xffff  }
0x14d: {  	v18 =	vadd.s32 v18, v53;
	v54 =	vsel vm8, $0x1, v8;
	vm8 =	vlt.s32 v50, v11  }
0x14e: {  	v18 =	vadd.s32 v54, v18;
	v20 =	vsel vm8, $0x1, v8;
	vm8 =	vlt.s32 v51, v11  }
0x14f: {  	v18 =	vadd.s32 v20, v18;
	v55 =	vsel vm8, $0x1, v8;
	vm8 =	vlt.s32 v52, v11  }
0x150: {  	v18 =	vadd.s32 v55, v18;
	v56 =	vsel vm8, $0x1, v8;
	vm8 =	vlt.s32 v17, v11  }
0x151: {  	v17 =	vadd.s32 v56, v18;
	v18 =	vsel vm8, $0x1, v8;
	vm8 =	vlt.s32 v19, v11  }
0x152: {  	v17 =	vadd.s32 v18, v17;
	v18 =	vsel vm8, $0x1, v8  }
0x153: {  	v17 =	vadd.s32 v18, v17  }
0x154: {  	[tilespmem:$0x610] =	vst v17  }
0x155: {  	v17 =	vld.msk [tilespmem:s0+$0x0], $0xffff  }
0x156: {  	v18 =	vld.idx.msk [tilespmem:v2+s0+$0x0], $0xffff  }
0x157: {  	v19 =	vld.idx.msk [tilespmem:v3+s0+$0x0], $0xffff  }
0x158: {  	v57 =	vld.idx.msk [tilespmem:v4+s0+$0x0], $0xffff  }
0x159: {  	v58 =	vld.idx.msk [tilespmem:v5+s0+$0x0], $0xffff  }
0x15a: {  	v59 =	vld.idx.msk [tilespmem:v6+s0+$0x0], $0xffff  }
0x15b: {  	vm8 =	vgt.s32 v17, v12;
	vm15 =	vlt.s32 v18, v13;
	v17 =	vld.idx.msk [tilespmem:v7+s0+$0x0], $0xffff  }
0x15c: {  	v18 =	vsel vm8, $0xFFFFFFFF, v8;
	v60 =	vsel vm15, $0x1, v8;
	vm8 =	vlt.s32 v19, v13;
	v19 =	vld.idx.msk [tilespmem:v0+s0+$0x0], $0xffff  }
0x15d: {  	v18 =	vadd.s32 v18, v60;
	v61 =	vsel vm8, $0x1, v8;
	vm8 =	vlt.s32 v57, v13  }
0x15e: {  	v18 =	vadd.s32 v61, v18;
	v20 =	vsel vm8, $0x1, v8;
	vm8 =	vlt.s32 v58, v13  }
0x15f: {  	v18 =	vadd.s32 v20, v18;
	v62 =	vsel vm8, $0x1, v8;
	vm8 =	vlt.s32 v59, v13  }
0x160: {  	v18 =	vadd.s32 v62, v18;
	v63 =	vsel vm8, $0x1, v8;
	vm8 =	vlt.s32 v17, v13  }
0x161: {  	v17 =	vadd.s32 v63, v18;
	v18 =	vsel vm8, $0x1, v8;
	vm8 =	vlt.s32 v19, v13  }
0x162: {  	v17 =	vadd.s32 v18, v17;
	v18 =	vsel vm8, $0x1, v8  }
0x163: {  	v17 =	vadd.s32 v18, v17  }
.Ltmp3:
0x164: {  	s30 =	rddreg [dreg:$0x4];
	s23 =	simm.s32 $0x600;
	[tilespmem:$0x620] =	vst v17;
	(pc) =	sbr.rel .LBB2_3-.Ltmp3, $4  }
0x165: {  	[hbm4b:s30+s2] =	stream.linear.scatter [tilespmem:s23], [sflag:$0x5], $0x80, $0x38;
	[tilespmem:$0x10680] =	vst v63  }
0x166: {  	_ =	swait.ge [sflag:s20], $0x80  }
0x167: {  	[sflag:s20] =	ssyncset.done $0x0  }
0x168: {  	[sflag:s20] =	ssyncadd.s32 $0xFFFFFF80  }
.LBB2_4:
0x169: {  	_ =	sfence.sel $0x180000  }
0x16a: {  	[bflag:$0x0] =	sbarrier.arrive $0xFFFF  }
0x16b: {  	_ =	strace $0x90000047  }
0x16c: {  	s0 =	stileid.u32;
	[bflag:$0x2] =	sbarrier.arrive $0xFFFF  }
0x16d: {  	p0 =	sne.s32 s0, $0x0;
	s0 =	rddreg [dreg:$0x2]  }
0x16e: {  	s0 =	sadd.s32 @!p0 $0x100000, s0  }
0x16f: {  	[sflag:s0] =	ssyncadd.tile.s32 @!p0 $0x1;
	_ =	shalt  }
.Lfunc_end2:
_tile_overlayer_lowered:
.L_overlay_start_2:
0x170: {  	(tag) =	ssettag $0x2  }
0x171: {  	s0 =	rddreg [dreg:$0x0];
	s2 =	stileid.u32  }
0x172: {  	s1 =	rddreg [dreg:$0x1];
	p0 =	sne.s32 s2, $0x0  }
0x173: {  	s3 =	rddreg [dreg:$0x2];
	[bflag:$0x3] =	sbarrier.arrive $0xFFFF;
	s2 =	simm.s32 @!p0 $0x1C05  }
0x174: {  	[timem:s3], [sflag:s2] =	dma.local @!p0 [hbm:s0], s1  }
0x175: {  	s0 =	simm.s32 @!p0 $0x5  }
0x176: {  	_ =	swait.ge @!p0 [sflag:s0], s1  }
0x177: {  	s1 =	ssub.s32 @!p0 $0x0, s1;
	[sflag:s0] =	ssyncset.done @!p0 $0x0  }
0x178: {  	[sflag:s0] =	ssyncadd.s32 @!p0 s1  }
0x179: {  	[bflag:$0x3] =	sbarrier.arrive $0xFFFF  }
0x17a: {  	_ =	shalt  }

</sc_bundles>
